<compile_context>
chip_gen: v7x
topology: tpu7x:2x2x1
jax: 0.10.2.dev20260603
libtpu: 0.0.44.dev20260713+nightly
codegen_flags: <defaults>
</compile_context>

<pallas_src>
import functools

import jax
import jax.numpy as jnp
import numpy as np
from jax import lax
from jax.experimental import pallas as pl
from jax.experimental.pallas import tpu as pltpu
from jax.experimental.pallas import tpu_sc as plsc

_PATCH_PERCENTAGE = 0.25
_GAUSSIAN_STD = 0.25
_NUM_WORKERS = 32


def _sampling_logits(scores, centers):
    B, N = scores.shape
    n = int(np.sqrt(N))
    y_patch = jnp.linspace(0.0, 1.0, n)
    x_patch = jnp.linspace(0.0, 1.0, n)
    grid_y, grid_x = jnp.meshgrid(y_patch, x_patch, indexing='ij')
    grid_coords = jnp.stack([grid_y.flatten(), grid_x.flatten()], axis=1)
    distances_sq = ((grid_coords[None, :, :] - centers[:, None, :]) ** 2).sum(axis=2)
    gaussian = jnp.exp(-distances_sq / (2.0 * _GAUSSIAN_STD ** 2))
    weights = gaussian / (gaussian.sum(axis=1, keepdims=True) + 1e-08)
    joint = scores * weights
    joint = joint / (joint.sum(axis=1, keepdims=True) + 1e-08)
    gumbel = jax.random.gumbel(jax.random.key(42), joint.shape, dtype=joint.dtype)
    return jnp.log(joint + 1e-20) + gumbel


def _topk_body(logits_ref, out_ref):
    b = pl.program_id(0)
    v = logits_ref[0]
    N = v.shape[1]
    K = out_ref.shape[2]
    rowmat = jnp.broadcast_to(v, (N, N))
    ii = lax.broadcasted_iota(jnp.int32, (N, N), 0)
    jj = lax.broadcasted_iota(jnp.int32, (N, N), 1)
    vcol = jnp.sum(jnp.where(ii == jj, rowmat, 0.0), axis=1, keepdims=True)
    colmat = jnp.broadcast_to(vcol, (N, N))
    beats = (rowmat > colmat) | ((rowmat == colmat) & (jj < ii))
    rank = jnp.sum(beats.astype(jnp.int32), axis=1, keepdims=True)
    rmat = jnp.broadcast_to(rank, (N, K))
    ss = lax.broadcasted_iota(jnp.int32, (N, K), 1)
    ival = lax.broadcasted_iota(jnp.int32, (N, K), 0)
    idx = jnp.sum(jnp.where(rmat == ss, ival, 0), axis=0, keepdims=True)
    out_ref[...] = (idx + b * N)[None]


def _topk_global_indices(logits, K):
    B, N = logits.shape
    return pl.pallas_call(
        _topk_body,
        grid=(B,),
        in_specs=[pl.BlockSpec((1, 1, N), lambda b: (b, 0, 0))],
        out_specs=pl.BlockSpec((1, 1, K), lambda b: (b, 0, 0)),
        out_shape=jax.ShapeDtypeStruct((B, 1, K), jnp.int32),
    )(logits.reshape(B, 1, N))


def _sc_gather_add(patches_flat, pos_table, gidx):
    R = gidx.shape[0]
    D = patches_flat.shape[1]
    N = pos_table.shape[0]
    rows_w = R // _NUM_WORKERS
    C = 16
    n_chunks = rows_w // C
    mesh = plsc.VectorSubcoreMesh(core_axis_name="c", subcore_axis_name="s")

    @functools.partial(
        pl.kernel,
        mesh=mesh,
        out_type=jax.ShapeDtypeStruct((R, D), jnp.float32),
        scratch_types=[
            pltpu.VMEM((rows_w,), jnp.int32),
            pltpu.VMEM((C, D), jnp.float32),
            pltpu.VMEM((C, D), jnp.float32),
            pltpu.SemaphoreType.DMA,
            pltpu.SemaphoreType.DMA,
        ],
    )
    def k(pf_hbm, pos_hbm, gidx_hbm, out_hbm, idx_v, pbuf, qbuf, s1, s2):
        wid = lax.axis_index("s") * 2 + lax.axis_index("c")
        base = wid * rows_w
        pltpu.sync_copy(gidx_hbm.at[pl.ds(base, rows_w)], idx_v)

        def chunk(ci, carry):
            off = ci * C
            iv = idx_v[pl.ds(off, C)]
            lv = jnp.bitwise_and(iv, N - 1)
            c1 = pltpu.async_copy(pf_hbm.at[iv], pbuf, s1)
            c2 = pltpu.async_copy(pos_hbm.at[lv], qbuf, s2)
            c1.wait()
            c2.wait()

            def addrow(r, c):
                for dd in range(D // 16):
                    sl = pl.ds(dd * 16, 16)
                    pbuf[r, sl] = pbuf[r, sl] + qbuf[r, sl]
                return c

            lax.fori_loop(0, C, addrow, 0)
            pltpu.sync_copy(pbuf, out_hbm.at[pl.ds(base + off, C)])
            return carry

        lax.fori_loop(0, n_chunks, chunk, 0)

    return k(patches_flat, pos_table, gidx)


def kernel(color_patches, vit_positional_embedding, scores, centers):
    B, N, D = color_patches.shape
    K = max(1, int(N * _PATCH_PERCENTAGE))
    logits = _sampling_logits(scores, centers)
    gidx = _topk_global_indices(logits, K).reshape(B * K)
    patches_flat = color_patches.reshape(B * N, D)
    pos_table = vit_positional_embedding[0, 1:, :]
    out = _sc_gather_add(patches_flat, pos_table, gidx)
    return out.reshape(B, K, D)

# --- scband reference (transcript-rebuilt; emitter-appended) ---
"""Pipeline reference for scband-spatial-threshold-selector-38070590112257 (READ-ONLY COPY).

The authoritative reference and input builder live on the scoring server;
editing this copy changes nothing except your own understanding.
"""

import jax, jax.numpy as jnp
import numpy as np

PATCH_PERCENTAGE = 0.25
GAUSSIAN_STD = 0.25


def _create_gaussian_weights(num_patches_h, num_patches_w, centers):
    y_patch = jnp.linspace(0.0, 1.0, num_patches_h)
    x_patch = jnp.linspace(0.0, 1.0, num_patches_w)
    grid_y, grid_x = jnp.meshgrid(y_patch, x_patch, indexing='ij')
    grid_coords = jnp.stack([grid_y.flatten(), grid_x.flatten()], axis=1)  # (N, 2)
    # vectorized over batch: distances_sq (B, N)
    distances_sq = ((grid_coords[None, :, :] - centers[:, None, :]) ** 2).sum(axis=2)
    gaussian = jnp.exp(-distances_sq / (2.0 * GAUSSIAN_STD ** 2))
    weights = gaussian / (gaussian.sum(axis=1, keepdims=True) + 1e-08)
    return weights


def setup_inputs(seed: int = 0) -> dict:
    key = jax.random.key(seed)
    k1, k2, k3, k4 = jax.random.split(key, 4)
    B, N, D = 64, 1024, 768
    color_patches = jax.random.normal(k1, (B, N, D), dtype=jnp.float32)
    vit_positional_embedding = jax.random.normal(k2, (1, N + 1, D), dtype=jnp.float32)
    scores = jax.random.uniform(k3, (B, N), dtype=jnp.float32, minval=1e-4, maxval=1.0)
    centers = jax.random.uniform(k4, (B, 2), dtype=jnp.float32)
    return {
        'color_patches': color_patches,
        'vit_positional_embedding': vit_positional_embedding,
        'scores': scores,
        'centers': centers,
    }


def reference(color_patches, vit_positional_embedding, scores, centers):
    B, N, D = color_patches.shape
    k = max(1, int(N * PATCH_PERCENTAGE))
    num_patches_side = int(np.sqrt(N))
    assert num_patches_side ** 2 == N, 'Number of patches is not a perfect square'
    gaussian_weights = _create_gaussian_weights(num_patches_side, num_patches_side, centers)
    joint = scores * gaussian_weights
    joint = joint / (joint.sum(axis=1, keepdims=True) + 1e-08)
    # multinomial sampling without replacement == Gumbel-top-k over log-probs
    gkey = jax.random.key(42)
    gumbel = jax.random.gumbel(gkey, joint.shape, dtype=joint.dtype)
    _, selected_indices = jax.lax.top_k(jnp.log(joint + 1e-20) + gumbel, k)  # (B, k)
    # _project_indices is identity in the original module
    projected_indices = selected_indices
    # gather selected patches
    selected_patches = jnp.take_along_axis(color_patches, projected_indices[:, :, None], axis=1)
    # gather positional embeddings (skip CLS token)
    pos_embed_patches = vit_positional_embedding[:, 1:, :]
    pos_embed_expanded = jnp.broadcast_to(pos_embed_patches, (B, N, D))
    selected_pos_embed = jnp.take_along_axis(pos_embed_expanded, projected_indices[:, :, None], axis=1)
    return selected_patches + selected_pos_embed

if __name__ == "__main__":
    import jax
    _d = setup_inputs()
    print(jax.jit(kernel)(*tuple(_d.values())))

</pallas_src>

<mosaic_0001>
#map = affine_map<(d0, d1) -> (0, 0)>
#map1 = affine_map<(d0, d1) -> (0)>
module attributes {stable_mosaic.version = 14 : i64} {
  func.func @k(%arg0: i32, %arg1: i32, %arg2: memref<65536x768xf32, #tpu.memory_space<hbm>>, %arg3: memref<1024x768xf32, #tpu.memory_space<hbm>>, %arg4: memref<16384xi32, #tpu.memory_space<hbm>>, %arg5: memref<16384x768xf32, #tpu.memory_space<hbm>>, %arg6: memref<512xi32, #tpu.memory_space<vmem>>, %arg7: memref<16x768xf32, #tpu.memory_space<vmem>>, %arg8: memref<16x768xf32, #tpu.memory_space<vmem>>, %arg9: memref<!tpu.dma_semaphore, #tpu.memory_space<semaphore_mem>>, %arg10: memref<!tpu.dma_semaphore, #tpu.memory_space<semaphore_mem>>) attributes {dimension_semantics = [#tpu.dimension_semantics<core_parallel>, #tpu.dimension_semantics<subcore_parallel>], iteration_bounds = array<i64: 2, 16>, scalar_prefetch = 0 : i64, scratch_operands = 5 : i64, tpu.core_type = #tpu.core_type<sc_vector_subcore>, window_params = [{transform_indices = #map}, {transform_indices = #map}, {transform_indices = #map1}, {transform_indices = #map}]} {
    %mul3A = arith.constant 2 : i32
    %mul3A_0 = arith.muli %arg1, %mul3A : i32
    %add3A = arith.addi %mul3A_0, %arg0 : i32
    %mul3A_1 = arith.constant 512 : i32
    %mul3A_2 = arith.muli %add3A, %mul3A_1 : i32
    "tpu.region"() ({
      %run_scoped3A = tpu.sem_alloc : memref<!tpu.dma_semaphore, #tpu.memory_space<semaphore_mem>>
      %dma_start3A = tpu.memref_slice %arg4[%mul3A_2] : memref<16384xi32, #tpu.memory_space<hbm>> -> memref<512xi32, #tpu.memory_space<hbm>>
      %dma_start3A_8 = tpu.memref_slice %arg4[%mul3A_2] : memref<16384xi32, #tpu.memory_space<hbm>> -> memref<512xi32, #tpu.memory_space<hbm>>
      tpu.enqueue_dma source(%dma_start3A_8 : memref<512xi32, #tpu.memory_space<hbm>>) target(%arg6 : memref<512xi32, #tpu.memory_space<vmem>>) target_semaphore(%run_scoped3A : memref<!tpu.dma_semaphore, #tpu.memory_space<semaphore_mem>>)
      %dma_wait3A = tpu.memref_slice %arg4[%mul3A_2] : memref<16384xi32, #tpu.memory_space<hbm>> -> memref<512xi32, #tpu.memory_space<hbm>>
      %dma_wait3A_9 = tpu.memref_slice %arg4[%mul3A_2] : memref<16384xi32, #tpu.memory_space<hbm>> -> memref<512xi32, #tpu.memory_space<hbm>>
      tpu.wait_dma2 semaphore(%run_scoped3A : memref<!tpu.dma_semaphore, #tpu.memory_space<semaphore_mem>>) src(%dma_wait3A_9 : memref<512xi32, #tpu.memory_space<hbm>>) dst(%arg6 : memref<512xi32, #tpu.memory_space<vmem>>)
      tpu.yield
    }) : () -> ()
    %scan3A = arith.constant 0 : i32
    %scan3A_3 = arith.constant 0 : i32
    %scan3A_4 = arith.constant 32 : i32
    %scan3A_5 = arith.addi %scan3A_3, %scan3A_4 : i32
    %scan3A_6 = arith.constant 1 : i32
    scf.for %scan3A_8 = %scan3A_3 to %scan3A_5 step %scan3A_6  : i32 {
      %mul3A_9 = arith.constant 16 : i32
      %mul3A_10 = arith.muli %scan3A_8, %mul3A_9 : i32
      %get3A = arith.index_cast %mul3A_10 : i32 to index
      %get3A_11 = tpu.vector_load %arg6[%get3A] {strides = array<i32>} : memref<512xi32, #tpu.memory_space<vmem>>, vector<16xi32>,
      %get3A_12 = vector.shape_cast %get3A_11 : vector<16xi32> to vector<16xi32>
      %and3A = arith.constant 1023 : i32
      %and3A_13 = vector.broadcast %and3A : i32 to vector<16xi32>
      %and3A_14 = arith.andi %get3A_12, %and3A_13 : vector<16xi32>
      %dma_start3A = arith.constant 0 : i32
      %dma_start3A_15 = arith.constant 0 : i32
      %dma_start3A_16 = tpu.memref_slice %arg2[%dma_start3A, %dma_start3A_15] : memref<65536x768xf32, #tpu.memory_space<hbm>> -> memref<65536x768xf32, #tpu.memory_space<hbm>>
      tpu.enqueue_indirect_dma source(%dma_start3A_16 : memref<65536x768xf32, #tpu.memory_space<hbm>>) target(%arg7 : memref<16x768xf32, #tpu.memory_space<vmem>>) offsets(%get3A_12 : vector<16xi32>) semaphore(%arg9 : memref<!tpu.dma_semaphore, #tpu.memory_space<semaphore_mem>>)
      %dma_start3A_17 = arith.constant 0 : i32
      %dma_start3A_18 = arith.constant 0 : i32
      %dma_start3A_19 = tpu.memref_slice %arg3[%dma_start3A_17, %dma_start3A_18] : memref<1024x768xf32, #tpu.memory_space<hbm>> -> memref<1024x768xf32, #tpu.memory_space<hbm>>
      tpu.enqueue_indirect_dma source(%dma_start3A_19 : memref<1024x768xf32, #tpu.memory_space<hbm>>) target(%arg8 : memref<16x768xf32, #tpu.memory_space<vmem>>) offsets(%and3A_14 : vector<16xi32>) semaphore(%arg10 : memref<!tpu.dma_semaphore, #tpu.memory_space<semaphore_mem>>)
      %dma_wait3A = arith.constant 0 : i32
      %dma_wait3A_20 = arith.constant 0 : i32
      %dma_wait3A_21 = tpu.memref_slice %arg2[%dma_wait3A, %dma_wait3A_20] : memref<65536x768xf32, #tpu.memory_space<hbm>> -> memref<65536x768xf32, #tpu.memory_space<hbm>>
      tpu.wait_indirect_dma semaphore(%arg9 : memref<!tpu.dma_semaphore, #tpu.memory_space<semaphore_mem>>) src(%dma_wait3A_21 : memref<65536x768xf32, #tpu.memory_space<hbm>>) dst(%arg7 : memref<16x768xf32, #tpu.memory_space<vmem>>)
      %dma_wait3A_22 = arith.constant 0 : i32
      %dma_wait3A_23 = arith.constant 0 : i32
      %dma_wait3A_24 = tpu.memref_slice %arg3[%dma_wait3A_22, %dma_wait3A_23] : memref<1024x768xf32, #tpu.memory_space<hbm>> -> memref<1024x768xf32, #tpu.memory_space<hbm>>
      tpu.wait_indirect_dma semaphore(%arg10 : memref<!tpu.dma_semaphore, #tpu.memory_space<semaphore_mem>>) src(%dma_wait3A_24 : memref<1024x768xf32, #tpu.memory_space<hbm>>) dst(%arg8 : memref<16x768xf32, #tpu.memory_space<vmem>>)
      %scan3A_25 = arith.constant 0 : i32
      %scan3A_26 = arith.constant 0 : i32
      %scan3A_27 = arith.constant 16 : i32
      %scan3A_28 = arith.addi %scan3A_26, %scan3A_27 : i32
      %scan3A_29 = arith.constant 1 : i32
      scf.for %scan3A_32 = %scan3A_26 to %scan3A_28 step %scan3A_29  : i32 {
        %get3A_33 = arith.index_cast %scan3A_32 : i32 to index
        %get3A_34 = arith.constant 0 : index
        %get3A_35 = tpu.vector_load %arg7[%get3A_33, %get3A_34] {strides = array<i32>} : memref<16x768xf32, #tpu.memory_space<vmem>>, vector<1x16xf32>,
        %get3A_36 = vector.shape_cast %get3A_35 : vector<1x16xf32> to vector<16xf32>
        %get3A_37 = arith.index_cast %scan3A_32 : i32 to index
        %get3A_38 = arith.constant 0 : index
        %get3A_39 = tpu.vector_load %arg8[%get3A_37, %get3A_38] {strides = array<i32>} : memref<16x768xf32, #tpu.memory_space<vmem>>, vector<1x16xf32>,
        %get3A_40 = vector.shape_cast %get3A_39 : vector<1x16xf32> to vector<16xf32>
        %add3A_41 = arith.addf %get3A_36, %get3A_40 : vector<16xf32>
        %swap3A = arith.index_cast %scan3A_32 : i32 to index
        %swap3A_42 = arith.constant 0 : index
        %swap3A_43 = tpu.vector_load %arg7[%swap3A, %swap3A_42] {strides = array<i32>} : memref<16x768xf32, #tpu.memory_space<vmem>>, vector<1x16xf32>,
        %swap3A_44 = vector.shape_cast %swap3A_43 : vector<1x16xf32> to vector<16xf32>
        %swap3A_45 = vector.shape_cast %add3A_41 : vector<16xf32> to vector<1x16xf32>
        tpu.vector_store %arg7[%swap3A, %swap3A_42], %swap3A_45 {strides = array<i32>} : memref<16x768xf32, #tpu.memory_space<vmem>>, vector<1x16xf32>,
        %get3A_46 = arith.index_cast %scan3A_32 : i32 to index
        %get3A_47 = arith.constant 16 : index
        %get3A_48 = tpu.vector_load %arg7[%get3A_46, %get3A_47] {strides = array<i32>} : memref<16x768xf32, #tpu.memory_space<vmem>>, vector<1x16xf32>,
        %get3A_49 = vector.shape_cast %get3A_48 : vector<1x16xf32> to vector<16xf32>
        %get3A_50 = arith.index_cast %scan3A_32 : i32 to index
        %get3A_51 = arith.constant 16 : index
        %get3A_52 = tpu.vector_load %arg8[%get3A_50, %get3A_51] {strides = array<i32>} : memref<16x768xf32, #tpu.memory_space<vmem>>, vector<1x16xf32>,
        %get3A_53 = vector.shape_cast %get3A_52 : vector<1x16xf32> to vector<16xf32>
        %add3A_54 = arith.addf %get3A_49, %get3A_53 : vector<16xf32>
        %swap3A_55 = arith.index_cast %scan3A_32 : i32 to index
        %swap3A_56 = arith.constant 16 : index
        %swap3A_57 = tpu.vector_load %arg7[%swap3A_55, %swap3A_56] {strides = array<i32>} : memref<16x768xf32, #tpu.memory_space<vmem>>, vector<1x16xf32>,
        %swap3A_58 = vector.shape_cast %swap3A_57 : vector<1x16xf32> to vector<16xf32>
        %swap3A_59 = vector.shape_cast %add3A_54 : vector<16xf32> to vector<1x16xf32>
        tpu.vector_store %arg7[%swap3A_55, %swap3A_56], %swap3A_59 {strides = array<i32>} : memref<16x768xf32, #tpu.memory_space<vmem>>, vector<1x16xf32>,
        %get3A_60 = arith.index_cast %scan3A_32 : i32 to index
        %get3A_61 = arith.constant 32 : index
        %get3A_62 = tpu.vector_load %arg7[%get3A_60, %get3A_61] {strides = array<i32>} : memref<16x768xf32, #tpu.memory_space<vmem>>, vector<1x16xf32>,
        %get3A_63 = vector.shape_cast %get3A_62 : vector<1x16xf32> to vector<16xf32>
        %get3A_64 = arith.index_cast %scan3A_32 : i32 to index
        %get3A_65 = arith.constant 32 : index
        %get3A_66 = tpu.vector_load %arg8[%get3A_64, %get3A_65] {strides = array<i32>} : memref<16x768xf32, #tpu.memory_space<vmem>>, vector<1x16xf32>,
        %get3A_67 = vector.shape_cast %get3A_66 : vector<1x16xf32> to vector<16xf32>
        %add3A_68 = arith.addf %get3A_63, %get3A_67 : vector<16xf32>
        %swap3A_69 = arith.index_cast %scan3A_32 : i32 to index
        %swap3A_70 = arith.constant 32 : index
        %swap3A_71 = tpu.vector_load %arg7[%swap3A_69, %swap3A_70] {strides = array<i32>} : memref<16x768xf32, #tpu.memory_space<vmem>>, vector<1x16xf32>,
        %swap3A_72 = vector.shape_cast %swap3A_71 : vector<1x16xf32> to vector<16xf32>
        %swap3A_73 = vector.shape_cast %add3A_68 : vector<16xf32> to vector<1x16xf32>
        tpu.vector_store %arg7[%swap3A_69, %swap3A_70], %swap3A_73 {strides = array<i32>} : memref<16x768xf32, #tpu.memory_space<vmem>>, vector<1x16xf32>,
        %get3A_74 = arith.index_cast %scan3A_32 : i32 to index
        %get3A_75 = arith.constant 48 : index
        %get3A_76 = tpu.vector_load %arg7[%get3A_74, %get3A_75] {strides = array<i32>} : memref<16x768xf32, #tpu.memory_space<vmem>>, vector<1x16xf32>,
        %get3A_77 = vector.shape_cast %get3A_76 : vector<1x16xf32> to vector<16xf32>
        %get3A_78 = arith.index_cast %scan3A_32 : i32 to index
        %get3A_79 = arith.constant 48 : index
        %get3A_80 = tpu.vector_load %arg8[%get3A_78, %get3A_79] {strides = array<i32>} : memref<16x768xf32, #tpu.memory_space<vmem>>, vector<1x16xf32>,
        %get3A_81 = vector.shape_cast %get3A_80 : vector<1x16xf32> to vector<16xf32>
        %add3A_82 = arith.addf %get3A_77, %get3A_81 : vector<16xf32>
        %swap3A_83 = arith.index_cast %scan3A_32 : i32 to index
        %swap3A_84 = arith.constant 48 : index
        %swap3A_85 = tpu.vector_load %arg7[%swap3A_83, %swap3A_84] {strides = array<i32>} : memref<16x768xf32, #tpu.memory_space<vmem>>, vector<1x16xf32>,
        %swap3A_86 = vector.shape_cast %swap3A_85 : vector<1x16xf32> to vector<16xf32>
        %swap3A_87 = vector.shape_cast %add3A_82 : vector<16xf32> to vector<1x16xf32>
        tpu.vector_store %arg7[%swap3A_83, %swap3A_84], %swap3A_87 {strides = array<i32>} : memref<16x768xf32, #tpu.memory_space<vmem>>, vector<1x16xf32>,
        %get3A_88 = arith.index_cast %scan3A_32 : i32 to index
        %get3A_89 = arith.constant 64 : index
        %get3A_90 = tpu.vector_load %arg7[%get3A_88, %get3A_89] {strides = array<i32>} : memref<16x768xf32, #tpu.memory_space<vmem>>, vector<1x16xf32>,
        %get3A_91 = vector.shape_cast %get3A_90 : vector<1x16xf32> to vector<16xf32>
        %get3A_92 = arith.index_cast %scan3A_32 : i32 to index
        %get3A_93 = arith.constant 64 : index
        %get3A_94 = tpu.vector_load %arg8[%get3A_92, %get3A_93] {strides = array<i32>} : memref<16x768xf32, #tpu.memory_space<vmem>>, vector<1x16xf32>,
        %get3A_95 = vector.shape_cast %get3A_94 : vector<1x16xf32> to vector<16xf32>
        %add3A_96 = arith.addf %get3A_91, %get3A_95 : vector<16xf32>
        %swap3A_97 = arith.index_cast %scan3A_32 : i32 to index
        %swap3A_98 = arith.constant 64 : index
        %swap3A_99 = tpu.vector_load %arg7[%swap3A_97, %swap3A_98] {strides = array<i32>} : memref<16x768xf32, #tpu.memory_space<vmem>>, vector<1x16xf32>,
        %swap3A_100 = vector.shape_cast %swap3A_99 : vector<1x16xf32> to vector<16xf32>
        %swap3A_101 = vector.shape_cast %add3A_96 : vector<16xf32> to vector<1x16xf32>
        tpu.vector_store %arg7[%swap3A_97, %swap3A_98], %swap3A_101 {strides = array<i32>} : memref<16x768xf32, #tpu.memory_space<vmem>>, vector<1x16xf32>,
        %get3A_102 = arith.index_cast %scan3A_32 : i32 to index
        %get3A_103 = arith.constant 80 : index
        %get3A_104 = tpu.vector_load %arg7[%get3A_102, %get3A_103] {strides = array<i32>} : memref<16x768xf32, #tpu.memory_space<vmem>>, vector<1x16xf32>,
        %get3A_105 = vector.shape_cast %get3A_104 : vector<1x16xf32> to vector<16xf32>
        %get3A_106 = arith.index_cast %scan3A_32 : i32 to index
        %get3A_107 = arith.constant 80 : index
        %get3A_108 = tpu.vector_load %arg8[%get3A_106, %get3A_107] {strides = array<i32>} : memref<16x768xf32, #tpu.memory_space<vmem>>, vector<1x16xf32>,
        %get3A_109 = vector.shape_cast %get3A_108 : vector<1x16xf32> to vector<16xf32>
        %add3A_110 = arith.addf %get3A_105, %get3A_109 : vector<16xf32>
        %swap3A_111 = arith.index_cast %scan3A_32 : i32 to index
        %swap3A_112 = arith.constant 80 : index
        %swap3A_113 = tpu.vector_load %arg7[%swap3A_111, %swap3A_112] {strides = array<i32>} : memref<16x768xf32, #tpu.memory_space<vmem>>, vector<1x16xf32>,
        %swap3A_114 = vector.shape_cast %swap3A_113 : vector<1x16xf32> to vector<16xf32>
        %swap3A_115 = vector.shape_cast %add3A_110 : vector<16xf32> to vector<1x16xf32>
        tpu.vector_store %arg7[%swap3A_111, %swap3A_112], %swap3A_115 {strides = array<i32>} : memref<16x768xf32, #tpu.memory_space<vmem>>, vector<1x16xf32>,
        %get3A_116 = arith.index_cast %scan3A_32 : i32 to index
        %get3A_117 = arith.constant 96 : index
        %get3A_118 = tpu.vector_load %arg7[%get3A_116, %get3A_117] {strides = array<i32>} : memref<16x768xf32, #tpu.memory_space<vmem>>, vector<1x16xf32>,
        %get3A_119 = vector.shape_cast %get3A_118 : vector<1x16xf32> to vector<16xf32>
        %get3A_120 = arith.index_cast %scan3A_32 : i32 to index
        %get3A_121 = arith.constant 96 : index
        %get3A_122 = tpu.vector_load %arg8[%get3A_120, %get3A_121] {strides = array<i32>} : memref<16x768xf32, #tpu.memory_space<vmem>>, vector<1x16xf32>,
        %get3A_123 = vector.shape_cast %get3A_122 : vector<1x16xf32> to vector<16xf32>
        %add3A_124 = arith.addf %get3A_119, %get3A_123 : vector<16xf32>
        %swap3A_125 = arith.index_cast %scan3A_32 : i32 to index
        %swap3A_126 = arith.constant 96 : index
        %swap3A_127 = tpu.vector_load %arg7[%swap3A_125, %swap3A_126] {strides = array<i32>} : memref<16x768xf32, #tpu.memory_space<vmem>>, vector<1x16xf32>,
        %swap3A_128 = vector.shape_cast %swap3A_127 : vector<1x16xf32> to vector<16xf32>
        %swap3A_129 = vector.shape_cast %add3A_124 : vector<16xf32> to vector<1x16xf32>
        tpu.vector_store %arg7[%swap3A_125, %swap3A_126], %swap3A_129 {strides = array<i32>} : memref<16x768xf32, #tpu.memory_space<vmem>>, vector<1x16xf32>,
        %get3A_130 = arith.index_cast %scan3A_32 : i32 to index
        %get3A_131 = arith.constant 112 : index
        %get3A_132 = tpu.vector_load %arg7[%get3A_130, %get3A_131] {strides = array<i32>} : memref<16x768xf32, #tpu.memory_space<vmem>>, vector<1x16xf32>,
        %get3A_133 = vector.shape_cast %get3A_132 : vector<1x16xf32> to vector<16xf32>
        %get3A_134 = arith.index_cast %scan3A_32 : i32 to index
        %get3A_135 = arith.constant 112 : index
        %get3A_136 = tpu.vector_load %arg8[%get3A_134, %get3A_135] {strides = array<i32>} : memref<16x768xf32, #tpu.memory_space<vmem>>, vector<1x16xf32>,
        %get3A_137 = vector.shape_cast %get3A_136 : vector<1x16xf32> to vector<16xf32>
        %add3A_138 = arith.addf %get3A_133, %get3A_137 : vector<16xf32>
        %swap3A_139 = arith.index_cast %scan3A_32 : i32 to index
        %swap3A_140 = arith.constant 112 : index
        %swap3A_141 = tpu.vector_load %arg7[%swap3A_139, %swap3A_140] {strides = array<i32>} : memref<16x768xf32, #tpu.memory_space<vmem>>, vector<1x16xf32>,
        %swap3A_142 = vector.shape_cast %swap3A_141 : vector<1x16xf32> to vector<16xf32>
        %swap3A_143 = vector.shape_cast %add3A_138 : vector<16xf32> to vector<1x16xf32>
        tpu.vector_store %arg7[%swap3A_139, %swap3A_140], %swap3A_143 {strides = array<i32>} : memref<16x768xf32, #tpu.memory_space<vmem>>, vector<1x16xf32>,
        %get3A_144 = arith.index_cast %scan3A_32 : i32 to index
        %get3A_145 = arith.constant 128 : index
        %get3A_146 = tpu.vector_load %arg7[%get3A_144, %get3A_145] {strides = array<i32>} : memref<16x768xf32, #tpu.memory_space<vmem>>, vector<1x16xf32>,
        %get3A_147 = vector.shape_cast %get3A_146 : vector<1x16xf32> to vector<16xf32>
        %get3A_148 = arith.index_cast %scan3A_32 : i32 to index
        %get3A_149 = arith.constant 128 : index
        %get3A_150 = tpu.vector_load %arg8[%get3A_148, %get3A_149] {strides = array<i32>} : memref<16x768xf32, #tpu.memory_space<vmem>>, vector<1x16xf32>,
        %get3A_151 = vector.shape_cast %get3A_150 : vector<1x16xf32> to vector<16xf32>
        %add3A_152 = arith.addf %get3A_147, %get3A_151 : vector<16xf32>
        %swap3A_153 = arith.index_cast %scan3A_32 : i32 to index
        %swap3A_154 = arith.constant 128 : index
        %swap3A_155 = tpu.vector_load %arg7[%swap3A_153, %swap3A_154] {strides = array<i32>} : memref<16x768xf32, #tpu.memory_space<vmem>>, vector<1x16xf32>,
        %swap3A_156 = vector.shape_cast %swap3A_155 : vector<1x16xf32> to vector<16xf32>
        %swap3A_157 = vector.shape_cast %add3A_152 : vector<16xf32> to vector<1x16xf32>
        tpu.vector_store %arg7[%swap3A_153, %swap3A_154], %swap3A_157 {strides = array<i32>} : memref<16x768xf32, #tpu.memory_space<vmem>>, vector<1x16xf32>,
        %get3A_158 = arith.index_cast %scan3A_32 : i32 to index
        %get3A_159 = arith.constant 144 : index
        %get3A_160 = tpu.vector_load %arg7[%get3A_158, %get3A_159] {strides = array<i32>} : memref<16x768xf32, #tpu.memory_space<vmem>>, vector<1x16xf32>,
        %get3A_161 = vector.shape_cast %get3A_160 : vector<1x16xf32> to vector<16xf32>
        %get3A_162 = arith.index_cast %scan3A_32 : i32 to index
        %get3A_163 = arith.constant 144 : index
        %get3A_164 = tpu.vector_load %arg8[%get3A_162, %get3A_163] {strides = array<i32>} : memref<16x768xf32, #tpu.memory_space<vmem>>, vector<1x16xf32>,
        %get3A_165 = vector.shape_cast %get3A_164 : vector<1x16xf32> to vector<16xf32>
        %add3A_166 = arith.addf %get3A_161, %get3A_165 : vector<16xf32>
        %swap3A_167 = arith.index_cast %scan3A_32 : i32 to index
        %swap3A_168 = arith.constant 144 : index
        %swap3A_169 = tpu.vector_load %arg7[%swap3A_167, %swap3A_168] {strides = array<i32>} : memref<16x768xf32, #tpu.memory_space<vmem>>, vector<1x16xf32>,
        %swap3A_170 = vector.shape_cast %swap3A_169 : vector<1x16xf32> to vector<16xf32>
        %swap3A_171 = vector.shape_cast %add3A_166 : vector<16xf32> to vector<1x16xf32>
        tpu.vector_store %arg7[%swap3A_167, %swap3A_168], %swap3A_171 {strides = array<i32>} : memref<16x768xf32, #tpu.memory_space<vmem>>, vector<1x16xf32>,
        %get3A_172 = arith.index_cast %scan3A_32 : i32 to index
        %get3A_173 = arith.constant 160 : index
        %get3A_174 = tpu.vector_load %arg7[%get3A_172, %get3A_173] {strides = array<i32>} : memref<16x768xf32, #tpu.memory_space<vmem>>, vector<1x16xf32>,
        %get3A_175 = vector.shape_cast %get3A_174 : vector<1x16xf32> to vector<16xf32>
        %get3A_176 = arith.index_cast %scan3A_32 : i32 to index
        %get3A_177 = arith.constant 160 : index
        %get3A_178 = tpu.vector_load %arg8[%get3A_176, %get3A_177] {strides = array<i32>} : memref<16x768xf32, #tpu.memory_space<vmem>>, vector<1x16xf32>,
        %get3A_179 = vector.shape_cast %get3A_178 : vector<1x16xf32> to vector<16xf32>
        %add3A_180 = arith.addf %get3A_175, %get3A_179 : vector<16xf32>
        %swap3A_181 = arith.index_cast %scan3A_32 : i32 to index
        %swap3A_182 = arith.constant 160 : index
        %swap3A_183 = tpu.vector_load %arg7[%swap3A_181, %swap3A_182] {strides = array<i32>} : memref<16x768xf32, #tpu.memory_space<vmem>>, vector<1x16xf32>,
        %swap3A_184 = vector.shape_cast %swap3A_183 : vector<1x16xf32> to vector<16xf32>
        %swap3A_185 = vector.shape_cast %add3A_180 : vector<16xf32> to vector<1x16xf32>
        tpu.vector_store %arg7[%swap3A_181, %swap3A_182], %swap3A_185 {strides = array<i32>} : memref<16x768xf32, #tpu.memory_space<vmem>>, vector<1x16xf32>,
        %get3A_186 = arith.index_cast %scan3A_32 : i32 to index
        %get3A_187 = arith.constant 176 : index
        %get3A_188 = tpu.vector_load %arg7[%get3A_186, %get3A_187] {strides = array<i32>} : memref<16x768xf32, #tpu.memory_space<vmem>>, vector<1x16xf32>,
        %get3A_189 = vector.shape_cast %get3A_188 : vector<1x16xf32> to vector<16xf32>
        %get3A_190 = arith.index_cast %scan3A_32 : i32 to index
        %get3A_191 = arith.constant 176 : index
        %get3A_192 = tpu.vector_load %arg8[%get3A_190, %get3A_191] {strides = array<i32>} : memref<16x768xf32, #tpu.memory_space<vmem>>, vector<1x16xf32>,
        %get3A_193 = vector.shape_cast %get3A_192 : vector<1x16xf32> to vector<16xf32>
        %add3A_194 = arith.addf %get3A_189, %get3A_193 : vector<16xf32>
        %swap3A_195 = arith.index_cast %scan3A_32 : i32 to index
        %swap3A_196 = arith.constant 176 : index
        %swap3A_197 = tpu.vector_load %arg7[%swap3A_195, %swap3A_196] {strides = array<i32>} : memref<16x768xf32, #tpu.memory_space<vmem>>, vector<1x16xf32>,
        %swap3A_198 = vector.shape_cast %swap3A_197 : vector<1x16xf32> to vector<16xf32>
        %swap3A_199 = vector.shape_cast %add3A_194 : vector<16xf32> to vector<1x16xf32>
        tpu.vector_store %arg7[%swap3A_195, %swap3A_196], %swap3A_199 {strides = array<i32>} : memref<16x768xf32, #tpu.memory_space<vmem>>, vector<1x16xf32>,
        %get3A_200 = arith.index_cast %scan3A_32 : i32 to index
        %get3A_201 = arith.constant 192 : index
        %get3A_202 = tpu.vector_load %arg7[%get3A_200, %get3A_201] {strides = array<i32>} : memref<16x768xf32, #tpu.memory_space<vmem>>, vector<1x16xf32>,
        %get3A_203 = vector.shape_cast %get3A_202 : vector<1x16xf32> to vector<16xf32>
        %get3A_204 = arith.index_cast %scan3A_32 : i32 to index
        %get3A_205 = arith.constant 192 : index
        %get3A_206 = tpu.vector_load %arg8[%get3A_204, %get3A_205] {strides = array<i32>} : memref<16x768xf32, #tpu.memory_space<vmem>>, vector<1x16xf32>,
        %get3A_207 = vector.shape_cast %get3A_206 : vector<1x16xf32> to vector<16xf32>
        %add3A_208 = arith.addf %get3A_203, %get3A_207 : vector<16xf32>
        %swap3A_209 = arith.index_cast %scan3A_32 : i32 to index
        %swap3A_210 = arith.constant 192 : index
        %swap3A_211 = tpu.vector_load %arg7[%swap3A_209, %swap3A_210] {strides = array<i32>} : memref<16x768xf32, #tpu.memory_space<vmem>>, vector<1x16xf32>,
        %swap3A_212 = vector.shape_cast %swap3A_211 : vector<1x16xf32> to vector<16xf32>
        %swap3A_213 = vector.shape_cast %add3A_208 : vector<16xf32> to vector<1x16xf32>
        tpu.vector_store %arg7[%swap3A_209, %swap3A_210], %swap3A_213 {strides = array<i32>} : memref<16x768xf32, #tpu.memory_space<vmem>>, vector<1x16xf32>,
        %get3A_214 = arith.index_cast %scan3A_32 : i32 to index
        %get3A_215 = arith.constant 208 : index
        %get3A_216 = tpu.vector_load %arg7[%get3A_214, %get3A_215] {strides = array<i32>} : memref<16x768xf32, #tpu.memory_space<vmem>>, vector<1x16xf32>,
        %get3A_217 = vector.shape_cast %get3A_216 : vector<1x16xf32> to vector<16xf32>
        %get3A_218 = arith.index_cast %scan3A_32 : i32 to index
        %get3A_219 = arith.constant 208 : index
        %get3A_220 = tpu.vector_load %arg8[%get3A_218, %get3A_219] {strides = array<i32>} : memref<16x768xf32, #tpu.memory_space<vmem>>, vector<1x16xf32>,
        %get3A_221 = vector.shape_cast %get3A_220 : vector<1x16xf32> to vector<16xf32>
        %add3A_222 = arith.addf %get3A_217, %get3A_221 : vector<16xf32>
        %swap3A_223 = arith.index_cast %scan3A_32 : i32 to index
        %swap3A_224 = arith.constant 208 : index
        %swap3A_225 = tpu.vector_load %arg7[%swap3A_223, %swap3A_224] {strides = array<i32>} : memref<16x768xf32, #tpu.memory_space<vmem>>, vector<1x16xf32>,
        %swap3A_226 = vector.shape_cast %swap3A_225 : vector<1x16xf32> to vector<16xf32>
        %swap3A_227 = vector.shape_cast %add3A_222 : vector<16xf32> to vector<1x16xf32>
        tpu.vector_store %arg7[%swap3A_223, %swap3A_224], %swap3A_227 {strides = array<i32>} : memref<16x768xf32, #tpu.memory_space<vmem>>, vector<1x16xf32>,
        %get3A_228 = arith.index_cast %scan3A_32 : i32 to index
        %get3A_229 = arith.constant 224 : index
        %get3A_230 = tpu.vector_load %arg7[%get3A_228, %get3A_229] {strides = array<i32>} : memref<16x768xf32, #tpu.memory_space<vmem>>, vector<1x16xf32>,
        %get3A_231 = vector.shape_cast %get3A_230 : vector<1x16xf32> to vector<16xf32>
        %get3A_232 = arith.index_cast %scan3A_32 : i32 to index
        %get3A_233 = arith.constant 224 : index
        %get3A_234 = tpu.vector_load %arg8[%get3A_232, %get3A_233] {strides = array<i32>} : memref<16x768xf32, #tpu.memory_space<vmem>>, vector<1x16xf32>,
        %get3A_235 = vector.shape_cast %get3A_234 : vector<1x16xf32> to vector<16xf32>
        %add3A_236 = arith.addf %get3A_231, %get3A_235 : vector<16xf32>
        %swap3A_237 = arith.index_cast %scan3A_32 : i32 to index
        %swap3A_238 = arith.constant 224 : index
        %swap3A_239 = tpu.vector_load %arg7[%swap3A_237, %swap3A_238] {strides = array<i32>} : memref<16x768xf32, #tpu.memory_space<vmem>>, vector<1x16xf32>,
        %swap3A_240 = vector.shape_cast %swap3A_239 : vector<1x16xf32> to vector<16xf32>
        %swap3A_241 = vector.shape_cast %add3A_236 : vector<16xf32> to vector<1x16xf32>
        tpu.vector_store %arg7[%swap3A_237, %swap3A_238], %swap3A_241 {strides = array<i32>} : memref<16x768xf32, #tpu.memory_space<vmem>>, vector<1x16xf32>,
        %get3A_242 = arith.index_cast %scan3A_32 : i32 to index
        %get3A_243 = arith.constant 240 : index
        %get3A_244 = tpu.vector_load %arg7[%get3A_242, %get3A_243] {strides = array<i32>} : memref<16x768xf32, #tpu.memory_space<vmem>>, vector<1x16xf32>,
        %get3A_245 = vector.shape_cast %get3A_244 : vector<1x16xf32> to vector<16xf32>
        %get3A_246 = arith.index_cast %scan3A_32 : i32 to index
        %get3A_247 = arith.constant 240 : index
        %get3A_248 = tpu.vector_load %arg8[%get3A_246, %get3A_247] {strides = array<i32>} : memref<16x768xf32, #tpu.memory_space<vmem>>, vector<1x16xf32>,
        %get3A_249 = vector.shape_cast %get3A_248 : vector<1x16xf32> to vector<16xf32>
        %add3A_250 = arith.addf %get3A_245, %get3A_249 : vector<16xf32>
        %swap3A_251 = arith.index_cast %scan3A_32 : i32 to index
        %swap3A_252 = arith.constant 240 : index
        %swap3A_253 = tpu.vector_load %arg7[%swap3A_251, %swap3A_252] {strides = array<i32>} : memref<16x768xf32, #tpu.memory_space<vmem>>, vector<1x16xf32>,
        %swap3A_254 = vector.shape_cast %swap3A_253 : vector<1x16xf32> to vector<16xf32>
        %swap3A_255 = vector.shape_cast %add3A_250 : vector<16xf32> to vector<1x16xf32>
        tpu.vector_store %arg7[%swap3A_251, %swap3A_252], %swap3A_255 {strides = array<i32>} : memref<16x768xf32, #tpu.memory_space<vmem>>, vector<1x16xf32>,
        %get3A_256 = arith.index_cast %scan3A_32 : i32 to index
        %get3A_257 = arith.constant 256 : index
        %get3A_258 = tpu.vector_load %arg7[%get3A_256, %get3A_257] {strides = array<i32>} : memref<16x768xf32, #tpu.memory_space<vmem>>, vector<1x16xf32>,
        %get3A_259 = vector.shape_cast %get3A_258 : vector<1x16xf32> to vector<16xf32>
        %get3A_260 = arith.index_cast %scan3A_32 : i32 to index
        %get3A_261 = arith.constant 256 : index
        %get3A_262 = tpu.vector_load %arg8[%get3A_260, %get3A_261] {strides = array<i32>} : memref<16x768xf32, #tpu.memory_space<vmem>>, vector<1x16xf32>,
        %get3A_263 = vector.shape_cast %get3A_262 : vector<1x16xf32> to vector<16xf32>
        %add3A_264 = arith.addf %get3A_259, %get3A_263 : vector<16xf32>
        %swap3A_265 = arith.index_cast %scan3A_32 : i32 to index
        %swap3A_266 = arith.constant 256 : index
        %swap3A_267 = tpu.vector_load %arg7[%swap3A_265, %swap3A_266] {strides = array<i32>} : memref<16x768xf32, #tpu.memory_space<vmem>>, vector<1x16xf32>,
        %swap3A_268 = vector.shape_cast %swap3A_267 : vector<1x16xf32> to vector<16xf32>
        %swap3A_269 = vector.shape_cast %add3A_264 : vector<16xf32> to vector<1x16xf32>
        tpu.vector_store %arg7[%swap3A_265, %swap3A_266], %swap3A_269 {strides = array<i32>} : memref<16x768xf32, #tpu.memory_space<vmem>>, vector<1x16xf32>,
        %get3A_270 = arith.index_cast %scan3A_32 : i32 to index
        %get3A_271 = arith.constant 272 : index
        %get3A_272 = tpu.vector_load %arg7[%get3A_270, %get3A_271] {strides = array<i32>} : memref<16x768xf32, #tpu.memory_space<vmem>>, vector<1x16xf32>,
        %get3A_273 = vector.shape_cast %get3A_272 : vector<1x16xf32> to vector<16xf32>
        %get3A_274 = arith.index_cast %scan3A_32 : i32 to index
        %get3A_275 = arith.constant 272 : index
        %get3A_276 = tpu.vector_load %arg8[%get3A_274, %get3A_275] {strides = array<i32>} : memref<16x768xf32, #tpu.memory_space<vmem>>, vector<1x16xf32>,
        %get3A_277 = vector.shape_cast %get3A_276 : vector<1x16xf32> to vector<16xf32>
        %add3A_278 = arith.addf %get3A_273, %get3A_277 : vector<16xf32>
        %swap3A_279 = arith.index_cast %scan3A_32 : i32 to index
        %swap3A_280 = arith.constant 272 : index
        %swap3A_281 = tpu.vector_load %arg7[%swap3A_279, %swap3A_280] {strides = array<i32>} : memref<16x768xf32, #tpu.memory_space<vmem>>, vector<1x16xf32>,
        %swap3A_282 = vector.shape_cast %swap3A_281 : vector<1x16xf32> to vector<16xf32>
        %swap3A_283 = vector.shape_cast %add3A_278 : vector<16xf32> to vector<1x16xf32>
        tpu.vector_store %arg7[%swap3A_279, %swap3A_280], %swap3A_283 {strides = array<i32>} : memref<16x768xf32, #tpu.memory_space<vmem>>, vector<1x16xf32>,
        %get3A_284 = arith.index_cast %scan3A_32 : i32 to index
        %get3A_285 = arith.constant 288 : index
        %get3A_286 = tpu.vector_load %arg7[%get3A_284, %get3A_285] {strides = array<i32>} : memref<16x768xf32, #tpu.memory_space<vmem>>, vector<1x16xf32>,
        %get3A_287 = vector.shape_cast %get3A_286 : vector<1x16xf32> to vector<16xf32>
        %get3A_288 = arith.index_cast %scan3A_32 : i32 to index
        %get3A_289 = arith.constant 288 : index
        %get3A_290 = tpu.vector_load %arg8[%get3A_288, %get3A_289] {strides = array<i32>} : memref<16x768xf32, #tpu.memory_space<vmem>>, vector<1x16xf32>,
        %get3A_291 = vector.shape_cast %get3A_290 : vector<1x16xf32> to vector<16xf32>
        %add3A_292 = arith.addf %get3A_287, %get3A_291 : vector<16xf32>
        %swap3A_293 = arith.index_cast %scan3A_32 : i32 to index
        %swap3A_294 = arith.constant 288 : index
        %swap3A_295 = tpu.vector_load %arg7[%swap3A_293, %swap3A_294] {strides = array<i32>} : memref<16x768xf32, #tpu.memory_space<vmem>>, vector<1x16xf32>,
        %swap3A_296 = vector.shape_cast %swap3A_295 : vector<1x16xf32> to vector<16xf32>
        %swap3A_297 = vector.shape_cast %add3A_292 : vector<16xf32> to vector<1x16xf32>
        tpu.vector_store %arg7[%swap3A_293, %swap3A_294], %swap3A_297 {strides = array<i32>} : memref<16x768xf32, #tpu.memory_space<vmem>>, vector<1x16xf32>,
        %get3A_298 = arith.index_cast %scan3A_32 : i32 to index
        %get3A_299 = arith.constant 304 : index
        %get3A_300 = tpu.vector_load %arg7[%get3A_298, %get3A_299] {strides = array<i32>} : memref<16x768xf32, #tpu.memory_space<vmem>>, vector<1x16xf32>,
        %get3A_301 = vector.shape_cast %get3A_300 : vector<1x16xf32> to vector<16xf32>
        %get3A_302 = arith.index_cast %scan3A_32 : i32 to index
        %get3A_303 = arith.constant 304 : index
        %get3A_304 = tpu.vector_load %arg8[%get3A_302, %get3A_303] {strides = array<i32>} : memref<16x768xf32, #tpu.memory_space<vmem>>, vector<1x16xf32>,
        %get3A_305 = vector.shape_cast %get3A_304 : vector<1x16xf32> to vector<16xf32>
        %add3A_306 = arith.addf %get3A_301, %get3A_305 : vector<16xf32>
        %swap3A_307 = arith.index_cast %scan3A_32 : i32 to index
        %swap3A_308 = arith.constant 304 : index
        %swap3A_309 = tpu.vector_load %arg7[%swap3A_307, %swap3A_308] {strides = array<i32>} : memref<16x768xf32, #tpu.memory_space<vmem>>, vector<1x16xf32>,
        %swap3A_310 = vector.shape_cast %swap3A_309 : vector<1x16xf32> to vector<16xf32>
        %swap3A_311 = vector.shape_cast %add3A_306 : vector<16xf32> to vector<1x16xf32>
        tpu.vector_store %arg7[%swap3A_307, %swap3A_308], %swap3A_311 {strides = array<i32>} : memref<16x768xf32, #tpu.memory_space<vmem>>, vector<1x16xf32>,
        %get3A_312 = arith.index_cast %scan3A_32 : i32 to index
        %get3A_313 = arith.constant 320 : index
        %get3A_314 = tpu.vector_load %arg7[%get3A_312, %get3A_313] {strides = array<i32>} : memref<16x768xf32, #tpu.memory_space<vmem>>, vector<1x16xf32>,
        %get3A_315 = vector.shape_cast %get3A_314 : vector<1x16xf32> to vector<16xf32>
        %get3A_316 = arith.index_cast %scan3A_32 : i32 to index
        %get3A_317 = arith.constant 320 : index
        %get3A_318 = tpu.vector_load %arg8[%get3A_316, %get3A_317] {strides = array<i32>} : memref<16x768xf32, #tpu.memory_space<vmem>>, vector<1x16xf32>,
        %get3A_319 = vector.shape_cast %get3A_318 : vector<1x16xf32> to vector<16xf32>
        %add3A_320 = arith.addf %get3A_315, %get3A_319 : vector<16xf32>
        %swap3A_321 = arith.index_cast %scan3A_32 : i32 to index
        %swap3A_322 = arith.constant 320 : index
        %swap3A_323 = tpu.vector_load %arg7[%swap3A_321, %swap3A_322] {strides = array<i32>} : memref<16x768xf32, #tpu.memory_space<vmem>>, vector<1x16xf32>,
        %swap3A_324 = vector.shape_cast %swap3A_323 : vector<1x16xf32> to vector<16xf32>
        %swap3A_325 = vector.shape_cast %add3A_320 : vector<16xf32> to vector<1x16xf32>
        tpu.vector_store %arg7[%swap3A_321, %swap3A_322], %swap3A_325 {strides = array<i32>} : memref<16x768xf32, #tpu.memory_space<vmem>>, vector<1x16xf32>,
        %get3A_326 = arith.index_cast %scan3A_32 : i32 to index
        %get3A_327 = arith.constant 336 : index
        %get3A_328 = tpu.vector_load %arg7[%get3A_326, %get3A_327] {strides = array<i32>} : memref<16x768xf32, #tpu.memory_space<vmem>>, vector<1x16xf32>,
        %get3A_329 = vector.shape_cast %get3A_328 : vector<1x16xf32> to vector<16xf32>
        %get3A_330 = arith.index_cast %scan3A_32 : i32 to index
        %get3A_331 = arith.constant 336 : index
        %get3A_332 = tpu.vector_load %arg8[%get3A_330, %get3A_331] {strides = array<i32>} : memref<16x768xf32, #tpu.memory_space<vmem>>, vector<1x16xf32>,
        %get3A_333 = vector.shape_cast %get3A_332 : vector<1x16xf32> to vector<16xf32>
        %add3A_334 = arith.addf %get3A_329, %get3A_333 : vector<16xf32>
        %swap3A_335 = arith.index_cast %scan3A_32 : i32 to index
        %swap3A_336 = arith.constant 336 : index
        %swap3A_337 = tpu.vector_load %arg7[%swap3A_335, %swap3A_336] {strides = array<i32>} : memref<16x768xf32, #tpu.memory_space<vmem>>, vector<1x16xf32>,
        %swap3A_338 = vector.shape_cast %swap3A_337 : vector<1x16xf32> to vector<16xf32>
        %swap3A_339 = vector.shape_cast %add3A_334 : vector<16xf32> to vector<1x16xf32>
        tpu.vector_store %arg7[%swap3A_335, %swap3A_336], %swap3A_339 {strides = array<i32>} : memref<16x768xf32, #tpu.memory_space<vmem>>, vector<1x16xf32>,
        %get3A_340 = arith.index_cast %scan3A_32 : i32 to index
        %get3A_341 = arith.constant 352 : index
        %get3A_342 = tpu.vector_load %arg7[%get3A_340, %get3A_341] {strides = array<i32>} : memref<16x768xf32, #tpu.memory_space<vmem>>, vector<1x16xf32>,
        %get3A_343 = vector.shape_cast %get3A_342 : vector<1x16xf32> to vector<16xf32>
        %get3A_344 = arith.index_cast %scan3A_32 : i32 to index
        %get3A_345 = arith.constant 352 : index
        %get3A_346 = tpu.vector_load %arg8[%get3A_344, %get3A_345] {strides = array<i32>} : memref<16x768xf32, #tpu.memory_space<vmem>>, vector<1x16xf32>,
        %get3A_347 = vector.shape_cast %get3A_346 : vector<1x16xf32> to vector<16xf32>
        %add3A_348 = arith.addf %get3A_343, %get3A_347 : vector<16xf32>
        %swap3A_349 = arith.index_cast %scan3A_32 : i32 to index
        %swap3A_350 = arith.constant 352 : index
        %swap3A_351 = tpu.vector_load %arg7[%swap3A_349, %swap3A_350] {strides = array<i32>} : memref<16x768xf32, #tpu.memory_space<vmem>>, vector<1x16xf32>,
        %swap3A_352 = vector.shape_cast %swap3A_351 : vector<1x16xf32> to vector<16xf32>
        %swap3A_353 = vector.shape_cast %add3A_348 : vector<16xf32> to vector<1x16xf32>
        tpu.vector_store %arg7[%swap3A_349, %swap3A_350], %swap3A_353 {strides = array<i32>} : memref<16x768xf32, #tpu.memory_space<vmem>>, vector<1x16xf32>,
        %get3A_354 = arith.index_cast %scan3A_32 : i32 to index
        %get3A_355 = arith.constant 368 : index
        %get3A_356 = tpu.vector_load %arg7[%get3A_354, %get3A_355] {strides = array<i32>} : memref<16x768xf32, #tpu.memory_space<vmem>>, vector<1x16xf32>,
        %get3A_357 = vector.shape_cast %get3A_356 : vector<1x16xf32> to vector<16xf32>
        %get3A_358 = arith.index_cast %scan3A_32 : i32 to index
        %get3A_359 = arith.constant 368 : index
        %get3A_360 = tpu.vector_load %arg8[%get3A_358, %get3A_359] {strides = array<i32>} : memref<16x768xf32, #tpu.memory_space<vmem>>, vector<1x16xf32>,
        %get3A_361 = vector.shape_cast %get3A_360 : vector<1x16xf32> to vector<16xf32>
        %add3A_362 = arith.addf %get3A_357, %get3A_361 : vector<16xf32>
        %swap3A_363 = arith.index_cast %scan3A_32 : i32 to index
        %swap3A_364 = arith.constant 368 : index
        %swap3A_365 = tpu.vector_load %arg7[%swap3A_363, %swap3A_364] {strides = array<i32>} : memref<16x768xf32, #tpu.memory_space<vmem>>, vector<1x16xf32>,
        %swap3A_366 = vector.shape_cast %swap3A_365 : vector<1x16xf32> to vector<16xf32>
        %swap3A_367 = vector.shape_cast %add3A_362 : vector<16xf32> to vector<1x16xf32>
        tpu.vector_store %arg7[%swap3A_363, %swap3A_364], %swap3A_367 {strides = array<i32>} : memref<16x768xf32, #tpu.memory_space<vmem>>, vector<1x16xf32>,
        %get3A_368 = arith.index_cast %scan3A_32 : i32 to index
        %get3A_369 = arith.constant 384 : index
        %get3A_370 = tpu.vector_load %arg7[%get3A_368, %get3A_369] {strides = array<i32>} : memref<16x768xf32, #tpu.memory_space<vmem>>, vector<1x16xf32>,
        %get3A_371 = vector.shape_cast %get3A_370 : vector<1x16xf32> to vector<16xf32>
        %get3A_372 = arith.index_cast %scan3A_32 : i32 to index
        %get3A_373 = arith.constant 384 : index
        %get3A_374 = tpu.vector_load %arg8[%get3A_372, %get3A_373] {strides = array<i32>} : memref<16x768xf32, #tpu.memory_space<vmem>>, vector<1x16xf32>,
        %get3A_375 = vector.shape_cast %get3A_374 : vector<1x16xf32> to vector<16xf32>
        %add3A_376 = arith.addf %get3A_371, %get3A_375 : vector<16xf32>
        %swap3A_377 = arith.index_cast %scan3A_32 : i32 to index
        %swap3A_378 = arith.constant 384 : index
        %swap3A_379 = tpu.vector_load %arg7[%swap3A_377, %swap3A_378] {strides = array<i32>} : memref<16x768xf32, #tpu.memory_space<vmem>>, vector<1x16xf32>,
        %swap3A_380 = vector.shape_cast %swap3A_379 : vector<1x16xf32> to vector<16xf32>
        %swap3A_381 = vector.shape_cast %add3A_376 : vector<16xf32> to vector<1x16xf32>
        tpu.vector_store %arg7[%swap3A_377, %swap3A_378], %swap3A_381 {strides = array<i32>} : memref<16x768xf32, #tpu.memory_space<vmem>>, vector<1x16xf32>,
        %get3A_382 = arith.index_cast %scan3A_32 : i32 to index
        %get3A_383 = arith.constant 400 : index
        %get3A_384 = tpu.vector_load %arg7[%get3A_382, %get3A_383] {strides = array<i32>} : memref<16x768xf32, #tpu.memory_space<vmem>>, vector<1x16xf32>,
        %get3A_385 = vector.shape_cast %get3A_384 : vector<1x16xf32> to vector<16xf32>
        %get3A_386 = arith.index_cast %scan3A_32 : i32 to index
        %get3A_387 = arith.constant 400 : index
        %get3A_388 = tpu.vector_load %arg8[%get3A_386, %get3A_387] {strides = array<i32>} : memref<16x768xf32, #tpu.memory_space<vmem>>, vector<1x16xf32>,
        %get3A_389 = vector.shape_cast %get3A_388 : vector<1x16xf32> to vector<16xf32>
        %add3A_390 = arith.addf %get3A_385, %get3A_389 : vector<16xf32>
        %swap3A_391 = arith.index_cast %scan3A_32 : i32 to index
        %swap3A_392 = arith.constant 400 : index
        %swap3A_393 = tpu.vector_load %arg7[%swap3A_391, %swap3A_392] {strides = array<i32>} : memref<16x768xf32, #tpu.memory_space<vmem>>, vector<1x16xf32>,
        %swap3A_394 = vector.shape_cast %swap3A_393 : vector<1x16xf32> to vector<16xf32>
        %swap3A_395 = vector.shape_cast %add3A_390 : vector<16xf32> to vector<1x16xf32>
        tpu.vector_store %arg7[%swap3A_391, %swap3A_392], %swap3A_395 {strides = array<i32>} : memref<16x768xf32, #tpu.memory_space<vmem>>, vector<1x16xf32>,
        %get3A_396 = arith.index_cast %scan3A_32 : i32 to index
        %get3A_397 = arith.constant 416 : index
        %get3A_398 = tpu.vector_load %arg7[%get3A_396, %get3A_397] {strides = array<i32>} : memref<16x768xf32, #tpu.memory_space<vmem>>, vector<1x16xf32>,
        %get3A_399 = vector.shape_cast %get3A_398 : vector<1x16xf32> to vector<16xf32>
        %get3A_400 = arith.index_cast %scan3A_32 : i32 to index
        %get3A_401 = arith.constant 416 : index
        %get3A_402 = tpu.vector_load %arg8[%get3A_400, %get3A_401] {strides = array<i32>} : memref<16x768xf32, #tpu.memory_space<vmem>>, vector<1x16xf32>,
        %get3A_403 = vector.shape_cast %get3A_402 : vector<1x16xf32> to vector<16xf32>
        %add3A_404 = arith.addf %get3A_399, %get3A_403 : vector<16xf32>
        %swap3A_405 = arith.index_cast %scan3A_32 : i32 to index
        %swap3A_406 = arith.constant 416 : index
        %swap3A_407 = tpu.vector_load %arg7[%swap3A_405, %swap3A_406] {strides = array<i32>} : memref<16x768xf32, #tpu.memory_space<vmem>>, vector<1x16xf32>,
        %swap3A_408 = vector.shape_cast %swap3A_407 : vector<1x16xf32> to vector<16xf32>
        %swap3A_409 = vector.shape_cast %add3A_404 : vector<16xf32> to vector<1x16xf32>
        tpu.vector_store %arg7[%swap3A_405, %swap3A_406], %swap3A_409 {strides = array<i32>} : memref<16x768xf32, #tpu.memory_space<vmem>>, vector<1x16xf32>,
        %get3A_410 = arith.index_cast %scan3A_32 : i32 to index
        %get3A_411 = arith.constant 432 : index
        %get3A_412 = tpu.vector_load %arg7[%get3A_410, %get3A_411] {strides = array<i32>} : memref<16x768xf32, #tpu.memory_space<vmem>>, vector<1x16xf32>,
        %get3A_413 = vector.shape_cast %get3A_412 : vector<1x16xf32> to vector<16xf32>
        %get3A_414 = arith.index_cast %scan3A_32 : i32 to index
        %get3A_415 = arith.constant 432 : index
        %get3A_416 = tpu.vector_load %arg8[%get3A_414, %get3A_415] {strides = array<i32>} : memref<16x768xf32, #tpu.memory_space<vmem>>, vector<1x16xf32>,
        %get3A_417 = vector.shape_cast %get3A_416 : vector<1x16xf32> to vector<16xf32>
        %add3A_418 = arith.addf %get3A_413, %get3A_417 : vector<16xf32>
        %swap3A_419 = arith.index_cast %scan3A_32 : i32 to index
        %swap3A_420 = arith.constant 432 : index
        %swap3A_421 = tpu.vector_load %arg7[%swap3A_419, %swap3A_420] {strides = array<i32>} : memref<16x768xf32, #tpu.memory_space<vmem>>, vector<1x16xf32>,
        %swap3A_422 = vector.shape_cast %swap3A_421 : vector<1x16xf32> to vector<16xf32>
        %swap3A_423 = vector.shape_cast %add3A_418 : vector<16xf32> to vector<1x16xf32>
        tpu.vector_store %arg7[%swap3A_419, %swap3A_420], %swap3A_423 {strides = array<i32>} : memref<16x768xf32, #tpu.memory_space<vmem>>, vector<1x16xf32>,
        %get3A_424 = arith.index_cast %scan3A_32 : i32 to index
        %get3A_425 = arith.constant 448 : index
        %get3A_426 = tpu.vector_load %arg7[%get3A_424, %get3A_425] {strides = array<i32>} : memref<16x768xf32, #tpu.memory_space<vmem>>, vector<1x16xf32>,
        %get3A_427 = vector.shape_cast %get3A_426 : vector<1x16xf32> to vector<16xf32>
        %get3A_428 = arith.index_cast %scan3A_32 : i32 to index
        %get3A_429 = arith.constant 448 : index
        %get3A_430 = tpu.vector_load %arg8[%get3A_428, %get3A_429] {strides = array<i32>} : memref<16x768xf32, #tpu.memory_space<vmem>>, vector<1x16xf32>,
        %get3A_431 = vector.shape_cast %get3A_430 : vector<1x16xf32> to vector<16xf32>
        %add3A_432 = arith.addf %get3A_427, %get3A_431 : vector<16xf32>
        %swap3A_433 = arith.index_cast %scan3A_32 : i32 to index
        %swap3A_434 = arith.constant 448 : index
        %swap3A_435 = tpu.vector_load %arg7[%swap3A_433, %swap3A_434] {strides = array<i32>} : memref<16x768xf32, #tpu.memory_space<vmem>>, vector<1x16xf32>,
        %swap3A_436 = vector.shape_cast %swap3A_435 : vector<1x16xf32> to vector<16xf32>
        %swap3A_437 = vector.shape_cast %add3A_432 : vector<16xf32> to vector<1x16xf32>
        tpu.vector_store %arg7[%swap3A_433, %swap3A_434], %swap3A_437 {strides = array<i32>} : memref<16x768xf32, #tpu.memory_space<vmem>>, vector<1x16xf32>,
        %get3A_438 = arith.index_cast %scan3A_32 : i32 to index
        %get3A_439 = arith.constant 464 : index
        %get3A_440 = tpu.vector_load %arg7[%get3A_438, %get3A_439] {strides = array<i32>} : memref<16x768xf32, #tpu.memory_space<vmem>>, vector<1x16xf32>,
        %get3A_441 = vector.shape_cast %get3A_440 : vector<1x16xf32> to vector<16xf32>
        %get3A_442 = arith.index_cast %scan3A_32 : i32 to index
        %get3A_443 = arith.constant 464 : index
        %get3A_444 = tpu.vector_load %arg8[%get3A_442, %get3A_443] {strides = array<i32>} : memref<16x768xf32, #tpu.memory_space<vmem>>, vector<1x16xf32>,
        %get3A_445 = vector.shape_cast %get3A_444 : vector<1x16xf32> to vector<16xf32>
        %add3A_446 = arith.addf %get3A_441, %get3A_445 : vector<16xf32>
        %swap3A_447 = arith.index_cast %scan3A_32 : i32 to index
        %swap3A_448 = arith.constant 464 : index
        %swap3A_449 = tpu.vector_load %arg7[%swap3A_447, %swap3A_448] {strides = array<i32>} : memref<16x768xf32, #tpu.memory_space<vmem>>, vector<1x16xf32>,
        %swap3A_450 = vector.shape_cast %swap3A_449 : vector<1x16xf32> to vector<16xf32>
        %swap3A_451 = vector.shape_cast %add3A_446 : vector<16xf32> to vector<1x16xf32>
        tpu.vector_store %arg7[%swap3A_447, %swap3A_448], %swap3A_451 {strides = array<i32>} : memref<16x768xf32, #tpu.memory_space<vmem>>, vector<1x16xf32>,
        %get3A_452 = arith.index_cast %scan3A_32 : i32 to index
        %get3A_453 = arith.constant 480 : index
        %get3A_454 = tpu.vector_load %arg7[%get3A_452, %get3A_453] {strides = array<i32>} : memref<16x768xf32, #tpu.memory_space<vmem>>, vector<1x16xf32>,
        %get3A_455 = vector.shape_cast %get3A_454 : vector<1x16xf32> to vector<16xf32>
        %get3A_456 = arith.index_cast %scan3A_32 : i32 to index
        %get3A_457 = arith.constant 480 : index
        %get3A_458 = tpu.vector_load %arg8[%get3A_456, %get3A_457] {strides = array<i32>} : memref<16x768xf32, #tpu.memory_space<vmem>>, vector<1x16xf32>,
        %get3A_459 = vector.shape_cast %get3A_458 : vector<1x16xf32> to vector<16xf32>
        %add3A_460 = arith.addf %get3A_455, %get3A_459 : vector<16xf32>
        %swap3A_461 = arith.index_cast %scan3A_32 : i32 to index
        %swap3A_462 = arith.constant 480 : index
        %swap3A_463 = tpu.vector_load %arg7[%swap3A_461, %swap3A_462] {strides = array<i32>} : memref<16x768xf32, #tpu.memory_space<vmem>>, vector<1x16xf32>,
        %swap3A_464 = vector.shape_cast %swap3A_463 : vector<1x16xf32> to vector<16xf32>
        %swap3A_465 = vector.shape_cast %add3A_460 : vector<16xf32> to vector<1x16xf32>
        tpu.vector_store %arg7[%swap3A_461, %swap3A_462], %swap3A_465 {strides = array<i32>} : memref<16x768xf32, #tpu.memory_space<vmem>>, vector<1x16xf32>,
        %get3A_466 = arith.index_cast %scan3A_32 : i32 to index
        %get3A_467 = arith.constant 496 : index
        %get3A_468 = tpu.vector_load %arg7[%get3A_466, %get3A_467] {strides = array<i32>} : memref<16x768xf32, #tpu.memory_space<vmem>>, vector<1x16xf32>,
        %get3A_469 = vector.shape_cast %get3A_468 : vector<1x16xf32> to vector<16xf32>
        %get3A_470 = arith.index_cast %scan3A_32 : i32 to index
        %get3A_471 = arith.constant 496 : index
        %get3A_472 = tpu.vector_load %arg8[%get3A_470, %get3A_471] {strides = array<i32>} : memref<16x768xf32, #tpu.memory_space<vmem>>, vector<1x16xf32>,
        %get3A_473 = vector.shape_cast %get3A_472 : vector<1x16xf32> to vector<16xf32>
        %add3A_474 = arith.addf %get3A_469, %get3A_473 : vector<16xf32>
        %swap3A_475 = arith.index_cast %scan3A_32 : i32 to index
        %swap3A_476 = arith.constant 496 : index
        %swap3A_477 = tpu.vector_load %arg7[%swap3A_475, %swap3A_476] {strides = array<i32>} : memref<16x768xf32, #tpu.memory_space<vmem>>, vector<1x16xf32>,
        %swap3A_478 = vector.shape_cast %swap3A_477 : vector<1x16xf32> to vector<16xf32>
        %swap3A_479 = vector.shape_cast %add3A_474 : vector<16xf32> to vector<1x16xf32>
        tpu.vector_store %arg7[%swap3A_475, %swap3A_476], %swap3A_479 {strides = array<i32>} : memref<16x768xf32, #tpu.memory_space<vmem>>, vector<1x16xf32>,
        %get3A_480 = arith.index_cast %scan3A_32 : i32 to index
        %get3A_481 = arith.constant 512 : index
        %get3A_482 = tpu.vector_load %arg7[%get3A_480, %get3A_481] {strides = array<i32>} : memref<16x768xf32, #tpu.memory_space<vmem>>, vector<1x16xf32>,
        %get3A_483 = vector.shape_cast %get3A_482 : vector<1x16xf32> to vector<16xf32>
        %get3A_484 = arith.index_cast %scan3A_32 : i32 to index
        %get3A_485 = arith.constant 512 : index
        %get3A_486 = tpu.vector_load %arg8[%get3A_484, %get3A_485] {strides = array<i32>} : memref<16x768xf32, #tpu.memory_space<vmem>>, vector<1x16xf32>,
        %get3A_487 = vector.shape_cast %get3A_486 : vector<1x16xf32> to vector<16xf32>
        %add3A_488 = arith.addf %get3A_483, %get3A_487 : vector<16xf32>
        %swap3A_489 = arith.index_cast %scan3A_32 : i32 to index
        %swap3A_490 = arith.constant 512 : index
        %swap3A_491 = tpu.vector_load %arg7[%swap3A_489, %swap3A_490] {strides = array<i32>} : memref<16x768xf32, #tpu.memory_space<vmem>>, vector<1x16xf32>,
        %swap3A_492 = vector.shape_cast %swap3A_491 : vector<1x16xf32> to vector<16xf32>
        %swap3A_493 = vector.shape_cast %add3A_488 : vector<16xf32> to vector<1x16xf32>
        tpu.vector_store %arg7[%swap3A_489, %swap3A_490], %swap3A_493 {strides = array<i32>} : memref<16x768xf32, #tpu.memory_space<vmem>>, vector<1x16xf32>,
        %get3A_494 = arith.index_cast %scan3A_32 : i32 to index
        %get3A_495 = arith.constant 528 : index
        %get3A_496 = tpu.vector_load %arg7[%get3A_494, %get3A_495] {strides = array<i32>} : memref<16x768xf32, #tpu.memory_space<vmem>>, vector<1x16xf32>,
        %get3A_497 = vector.shape_cast %get3A_496 : vector<1x16xf32> to vector<16xf32>
        %get3A_498 = arith.index_cast %scan3A_32 : i32 to index
        %get3A_499 = arith.constant 528 : index
        %get3A_500 = tpu.vector_load %arg8[%get3A_498, %get3A_499] {strides = array<i32>} : memref<16x768xf32, #tpu.memory_space<vmem>>, vector<1x16xf32>,
        %get3A_501 = vector.shape_cast %get3A_500 : vector<1x16xf32> to vector<16xf32>
        %add3A_502 = arith.addf %get3A_497, %get3A_501 : vector<16xf32>
        %swap3A_503 = arith.index_cast %scan3A_32 : i32 to index
        %swap3A_504 = arith.constant 528 : index
        %swap3A_505 = tpu.vector_load %arg7[%swap3A_503, %swap3A_504] {strides = array<i32>} : memref<16x768xf32, #tpu.memory_space<vmem>>, vector<1x16xf32>,
        %swap3A_506 = vector.shape_cast %swap3A_505 : vector<1x16xf32> to vector<16xf32>
        %swap3A_507 = vector.shape_cast %add3A_502 : vector<16xf32> to vector<1x16xf32>
        tpu.vector_store %arg7[%swap3A_503, %swap3A_504], %swap3A_507 {strides = array<i32>} : memref<16x768xf32, #tpu.memory_space<vmem>>, vector<1x16xf32>,
        %get3A_508 = arith.index_cast %scan3A_32 : i32 to index
        %get3A_509 = arith.constant 544 : index
        %get3A_510 = tpu.vector_load %arg7[%get3A_508, %get3A_509] {strides = array<i32>} : memref<16x768xf32, #tpu.memory_space<vmem>>, vector<1x16xf32>,
        %get3A_511 = vector.shape_cast %get3A_510 : vector<1x16xf32> to vector<16xf32>
        %get3A_512 = arith.index_cast %scan3A_32 : i32 to index
        %get3A_513 = arith.constant 544 : index
        %get3A_514 = tpu.vector_load %arg8[%get3A_512, %get3A_513] {strides = array<i32>} : memref<16x768xf32, #tpu.memory_space<vmem>>, vector<1x16xf32>,
        %get3A_515 = vector.shape_cast %get3A_514 : vector<1x16xf32> to vector<16xf32>
        %add3A_516 = arith.addf %get3A_511, %get3A_515 : vector<16xf32>
        %swap3A_517 = arith.index_cast %scan3A_32 : i32 to index
        %swap3A_518 = arith.constant 544 : index
        %swap3A_519 = tpu.vector_load %arg7[%swap3A_517, %swap3A_518] {strides = array<i32>} : memref<16x768xf32, #tpu.memory_space<vmem>>, vector<1x16xf32>,
        %swap3A_520 = vector.shape_cast %swap3A_519 : vector<1x16xf32> to vector<16xf32>
        %swap3A_521 = vector.shape_cast %add3A_516 : vector<16xf32> to vector<1x16xf32>
        tpu.vector_store %arg7[%swap3A_517, %swap3A_518], %swap3A_521 {strides = array<i32>} : memref<16x768xf32, #tpu.memory_space<vmem>>, vector<1x16xf32>,
        %get3A_522 = arith.index_cast %scan3A_32 : i32 to index
        %get3A_523 = arith.constant 560 : index
        %get3A_524 = tpu.vector_load %arg7[%get3A_522, %get3A_523] {strides = array<i32>} : memref<16x768xf32, #tpu.memory_space<vmem>>, vector<1x16xf32>,
        %get3A_525 = vector.shape_cast %get3A_524 : vector<1x16xf32> to vector<16xf32>
        %get3A_526 = arith.index_cast %scan3A_32 : i32 to index
        %get3A_527 = arith.constant 560 : index
        %get3A_528 = tpu.vector_load %arg8[%get3A_526, %get3A_527] {strides = array<i32>} : memref<16x768xf32, #tpu.memory_space<vmem>>, vector<1x16xf32>,
        %get3A_529 = vector.shape_cast %get3A_528 : vector<1x16xf32> to vector<16xf32>
        %add3A_530 = arith.addf %get3A_525, %get3A_529 : vector<16xf32>
        %swap3A_531 = arith.index_cast %scan3A_32 : i32 to index
        %swap3A_532 = arith.constant 560 : index
        %swap3A_533 = tpu.vector_load %arg7[%swap3A_531, %swap3A_532] {strides = array<i32>} : memref<16x768xf32, #tpu.memory_space<vmem>>, vector<1x16xf32>,
        %swap3A_534 = vector.shape_cast %swap3A_533 : vector<1x16xf32> to vector<16xf32>
        %swap3A_535 = vector.shape_cast %add3A_530 : vector<16xf32> to vector<1x16xf32>
        tpu.vector_store %arg7[%swap3A_531, %swap3A_532], %swap3A_535 {strides = array<i32>} : memref<16x768xf32, #tpu.memory_space<vmem>>, vector<1x16xf32>,
        %get3A_536 = arith.index_cast %scan3A_32 : i32 to index
        %get3A_537 = arith.constant 576 : index
        %get3A_538 = tpu.vector_load %arg7[%get3A_536, %get3A_537] {strides = array<i32>} : memref<16x768xf32, #tpu.memory_space<vmem>>, vector<1x16xf32>,
        %get3A_539 = vector.shape_cast %get3A_538 : vector<1x16xf32> to vector<16xf32>
        %get3A_540 = arith.index_cast %scan3A_32 : i32 to index
        %get3A_541 = arith.constant 576 : index
        %get3A_542 = tpu.vector_load %arg8[%get3A_540, %get3A_541] {strides = array<i32>} : memref<16x768xf32, #tpu.memory_space<vmem>>, vector<1x16xf32>,
        %get3A_543 = vector.shape_cast %get3A_542 : vector<1x16xf32> to vector<16xf32>
        %add3A_544 = arith.addf %get3A_539, %get3A_543 : vector<16xf32>
        %swap3A_545 = arith.index_cast %scan3A_32 : i32 to index
        %swap3A_546 = arith.constant 576 : index
        %swap3A_547 = tpu.vector_load %arg7[%swap3A_545, %swap3A_546] {strides = array<i32>} : memref<16x768xf32, #tpu.memory_space<vmem>>, vector<1x16xf32>,
        %swap3A_548 = vector.shape_cast %swap3A_547 : vector<1x16xf32> to vector<16xf32>
        %swap3A_549 = vector.shape_cast %add3A_544 : vector<16xf32> to vector<1x16xf32>
        tpu.vector_store %arg7[%swap3A_545, %swap3A_546], %swap3A_549 {strides = array<i32>} : memref<16x768xf32, #tpu.memory_space<vmem>>, vector<1x16xf32>,
        %get3A_550 = arith.index_cast %scan3A_32 : i32 to index
        %get3A_551 = arith.constant 592 : index
        %get3A_552 = tpu.vector_load %arg7[%get3A_550, %get3A_551] {strides = array<i32>} : memref<16x768xf32, #tpu.memory_space<vmem>>, vector<1x16xf32>,
        %get3A_553 = vector.shape_cast %get3A_552 : vector<1x16xf32> to vector<16xf32>
        %get3A_554 = arith.index_cast %scan3A_32 : i32 to index
        %get3A_555 = arith.constant 592 : index
        %get3A_556 = tpu.vector_load %arg8[%get3A_554, %get3A_555] {strides = array<i32>} : memref<16x768xf32, #tpu.memory_space<vmem>>, vector<1x16xf32>,
        %get3A_557 = vector.shape_cast %get3A_556 : vector<1x16xf32> to vector<16xf32>
        %add3A_558 = arith.addf %get3A_553, %get3A_557 : vector<16xf32>
        %swap3A_559 = arith.index_cast %scan3A_32 : i32 to index
        %swap3A_560 = arith.constant 592 : index
        %swap3A_561 = tpu.vector_load %arg7[%swap3A_559, %swap3A_560] {strides = array<i32>} : memref<16x768xf32, #tpu.memory_space<vmem>>, vector<1x16xf32>,
        %swap3A_562 = vector.shape_cast %swap3A_561 : vector<1x16xf32> to vector<16xf32>
        %swap3A_563 = vector.shape_cast %add3A_558 : vector<16xf32> to vector<1x16xf32>
        tpu.vector_store %arg7[%swap3A_559, %swap3A_560], %swap3A_563 {strides = array<i32>} : memref<16x768xf32, #tpu.memory_space<vmem>>, vector<1x16xf32>,
        %get3A_564 = arith.index_cast %scan3A_32 : i32 to index
        %get3A_565 = arith.constant 608 : index
        %get3A_566 = tpu.vector_load %arg7[%get3A_564, %get3A_565] {strides = array<i32>} : memref<16x768xf32, #tpu.memory_space<vmem>>, vector<1x16xf32>,
        %get3A_567 = vector.shape_cast %get3A_566 : vector<1x16xf32> to vector<16xf32>
        %get3A_568 = arith.index_cast %scan3A_32 : i32 to index
        %get3A_569 = arith.constant 608 : index
        %get3A_570 = tpu.vector_load %arg8[%get3A_568, %get3A_569] {strides = array<i32>} : memref<16x768xf32, #tpu.memory_space<vmem>>, vector<1x16xf32>,
        %get3A_571 = vector.shape_cast %get3A_570 : vector<1x16xf32> to vector<16xf32>
        %add3A_572 = arith.addf %get3A_567, %get3A_571 : vector<16xf32>
        %swap3A_573 = arith.index_cast %scan3A_32 : i32 to index
        %swap3A_574 = arith.constant 608 : index
        %swap3A_575 = tpu.vector_load %arg7[%swap3A_573, %swap3A_574] {strides = array<i32>} : memref<16x768xf32, #tpu.memory_space<vmem>>, vector<1x16xf32>,
        %swap3A_576 = vector.shape_cast %swap3A_575 : vector<1x16xf32> to vector<16xf32>
        %swap3A_577 = vector.shape_cast %add3A_572 : vector<16xf32> to vector<1x16xf32>
        tpu.vector_store %arg7[%swap3A_573, %swap3A_574], %swap3A_577 {strides = array<i32>} : memref<16x768xf32, #tpu.memory_space<vmem>>, vector<1x16xf32>,
        %get3A_578 = arith.index_cast %scan3A_32 : i32 to index
        %get3A_579 = arith.constant 624 : index
        %get3A_580 = tpu.vector_load %arg7[%get3A_578, %get3A_579] {strides = array<i32>} : memref<16x768xf32, #tpu.memory_space<vmem>>, vector<1x16xf32>,
        %get3A_581 = vector.shape_cast %get3A_580 : vector<1x16xf32> to vector<16xf32>
        %get3A_582 = arith.index_cast %scan3A_32 : i32 to index
        %get3A_583 = arith.constant 624 : index
        %get3A_584 = tpu.vector_load %arg8[%get3A_582, %get3A_583] {strides = array<i32>} : memref<16x768xf32, #tpu.memory_space<vmem>>, vector<1x16xf32>,
        %get3A_585 = vector.shape_cast %get3A_584 : vector<1x16xf32> to vector<16xf32>
        %add3A_586 = arith.addf %get3A_581, %get3A_585 : vector<16xf32>
        %swap3A_587 = arith.index_cast %scan3A_32 : i32 to index
        %swap3A_588 = arith.constant 624 : index
        %swap3A_589 = tpu.vector_load %arg7[%swap3A_587, %swap3A_588] {strides = array<i32>} : memref<16x768xf32, #tpu.memory_space<vmem>>, vector<1x16xf32>,
        %swap3A_590 = vector.shape_cast %swap3A_589 : vector<1x16xf32> to vector<16xf32>
        %swap3A_591 = vector.shape_cast %add3A_586 : vector<16xf32> to vector<1x16xf32>
        tpu.vector_store %arg7[%swap3A_587, %swap3A_588], %swap3A_591 {strides = array<i32>} : memref<16x768xf32, #tpu.memory_space<vmem>>, vector<1x16xf32>,
        %get3A_592 = arith.index_cast %scan3A_32 : i32 to index
        %get3A_593 = arith.constant 640 : index
        %get3A_594 = tpu.vector_load %arg7[%get3A_592, %get3A_593] {strides = array<i32>} : memref<16x768xf32, #tpu.memory_space<vmem>>, vector<1x16xf32>,
        %get3A_595 = vector.shape_cast %get3A_594 : vector<1x16xf32> to vector<16xf32>
        %get3A_596 = arith.index_cast %scan3A_32 : i32 to index
        %get3A_597 = arith.constant 640 : index
        %get3A_598 = tpu.vector_load %arg8[%get3A_596, %get3A_597] {strides = array<i32>} : memref<16x768xf32, #tpu.memory_space<vmem>>, vector<1x16xf32>,
        %get3A_599 = vector.shape_cast %get3A_598 : vector<1x16xf32> to vector<16xf32>
        %add3A_600 = arith.addf %get3A_595, %get3A_599 : vector<16xf32>
        %swap3A_601 = arith.index_cast %scan3A_32 : i32 to index
        %swap3A_602 = arith.constant 640 : index
        %swap3A_603 = tpu.vector_load %arg7[%swap3A_601, %swap3A_602] {strides = array<i32>} : memref<16x768xf32, #tpu.memory_space<vmem>>, vector<1x16xf32>,
        %swap3A_604 = vector.shape_cast %swap3A_603 : vector<1x16xf32> to vector<16xf32>
        %swap3A_605 = vector.shape_cast %add3A_600 : vector<16xf32> to vector<1x16xf32>
        tpu.vector_store %arg7[%swap3A_601, %swap3A_602], %swap3A_605 {strides = array<i32>} : memref<16x768xf32, #tpu.memory_space<vmem>>, vector<1x16xf32>,
        %get3A_606 = arith.index_cast %scan3A_32 : i32 to index
        %get3A_607 = arith.constant 656 : index
        %get3A_608 = tpu.vector_load %arg7[%get3A_606, %get3A_607] {strides = array<i32>} : memref<16x768xf32, #tpu.memory_space<vmem>>, vector<1x16xf32>,
        %get3A_609 = vector.shape_cast %get3A_608 : vector<1x16xf32> to vector<16xf32>
        %get3A_610 = arith.index_cast %scan3A_32 : i32 to index
        %get3A_611 = arith.constant 656 : index
        %get3A_612 = tpu.vector_load %arg8[%get3A_610, %get3A_611] {strides = array<i32>} : memref<16x768xf32, #tpu.memory_space<vmem>>, vector<1x16xf32>,
        %get3A_613 = vector.shape_cast %get3A_612 : vector<1x16xf32> to vector<16xf32>
        %add3A_614 = arith.addf %get3A_609, %get3A_613 : vector<16xf32>
        %swap3A_615 = arith.index_cast %scan3A_32 : i32 to index
        %swap3A_616 = arith.constant 656 : index
        %swap3A_617 = tpu.vector_load %arg7[%swap3A_615, %swap3A_616] {strides = array<i32>} : memref<16x768xf32, #tpu.memory_space<vmem>>, vector<1x16xf32>,
        %swap3A_618 = vector.shape_cast %swap3A_617 : vector<1x16xf32> to vector<16xf32>
        %swap3A_619 = vector.shape_cast %add3A_614 : vector<16xf32> to vector<1x16xf32>
        tpu.vector_store %arg7[%swap3A_615, %swap3A_616], %swap3A_619 {strides = array<i32>} : memref<16x768xf32, #tpu.memory_space<vmem>>, vector<1x16xf32>,
        %get3A_620 = arith.index_cast %scan3A_32 : i32 to index
        %get3A_621 = arith.constant 672 : index
        %get3A_622 = tpu.vector_load %arg7[%get3A_620, %get3A_621] {strides = array<i32>} : memref<16x768xf32, #tpu.memory_space<vmem>>, vector<1x16xf32>,
        %get3A_623 = vector.shape_cast %get3A_622 : vector<1x16xf32> to vector<16xf32>
        %get3A_624 = arith.index_cast %scan3A_32 : i32 to index
        %get3A_625 = arith.constant 672 : index
        %get3A_626 = tpu.vector_load %arg8[%get3A_624, %get3A_625] {strides = array<i32>} : memref<16x768xf32, #tpu.memory_space<vmem>>, vector<1x16xf32>,
        %get3A_627 = vector.shape_cast %get3A_626 : vector<1x16xf32> to vector<16xf32>
        %add3A_628 = arith.addf %get3A_623, %get3A_627 : vector<16xf32>
        %swap3A_629 = arith.index_cast %scan3A_32 : i32 to index
        %swap3A_630 = arith.constant 672 : index
        %swap3A_631 = tpu.vector_load %arg7[%swap3A_629, %swap3A_630] {strides = array<i32>} : memref<16x768xf32, #tpu.memory_space<vmem>>, vector<1x16xf32>,
        %swap3A_632 = vector.shape_cast %swap3A_631 : vector<1x16xf32> to vector<16xf32>
        %swap3A_633 = vector.shape_cast %add3A_628 : vector<16xf32> to vector<1x16xf32>
        tpu.vector_store %arg7[%swap3A_629, %swap3A_630], %swap3A_633 {strides = array<i32>} : memref<16x768xf32, #tpu.memory_space<vmem>>, vector<1x16xf32>,
        %get3A_634 = arith.index_cast %scan3A_32 : i32 to index
        %get3A_635 = arith.constant 688 : index
        %get3A_636 = tpu.vector_load %arg7[%get3A_634, %get3A_635] {strides = array<i32>} : memref<16x768xf32, #tpu.memory_space<vmem>>, vector<1x16xf32>,
        %get3A_637 = vector.shape_cast %get3A_636 : vector<1x16xf32> to vector<16xf32>
        %get3A_638 = arith.index_cast %scan3A_32 : i32 to index
        %get3A_639 = arith.constant 688 : index
        %get3A_640 = tpu.vector_load %arg8[%get3A_638, %get3A_639] {strides = array<i32>} : memref<16x768xf32, #tpu.memory_space<vmem>>, vector<1x16xf32>,
        %get3A_641 = vector.shape_cast %get3A_640 : vector<1x16xf32> to vector<16xf32>
        %add3A_642 = arith.addf %get3A_637, %get3A_641 : vector<16xf32>
        %swap3A_643 = arith.index_cast %scan3A_32 : i32 to index
        %swap3A_644 = arith.constant 688 : index
        %swap3A_645 = tpu.vector_load %arg7[%swap3A_643, %swap3A_644] {strides = array<i32>} : memref<16x768xf32, #tpu.memory_space<vmem>>, vector<1x16xf32>,
        %swap3A_646 = vector.shape_cast %swap3A_645 : vector<1x16xf32> to vector<16xf32>
        %swap3A_647 = vector.shape_cast %add3A_642 : vector<16xf32> to vector<1x16xf32>
        tpu.vector_store %arg7[%swap3A_643, %swap3A_644], %swap3A_647 {strides = array<i32>} : memref<16x768xf32, #tpu.memory_space<vmem>>, vector<1x16xf32>,
        %get3A_648 = arith.index_cast %scan3A_32 : i32 to index
        %get3A_649 = arith.constant 704 : index
        %get3A_650 = tpu.vector_load %arg7[%get3A_648, %get3A_649] {strides = array<i32>} : memref<16x768xf32, #tpu.memory_space<vmem>>, vector<1x16xf32>,
        %get3A_651 = vector.shape_cast %get3A_650 : vector<1x16xf32> to vector<16xf32>
        %get3A_652 = arith.index_cast %scan3A_32 : i32 to index
        %get3A_653 = arith.constant 704 : index
        %get3A_654 = tpu.vector_load %arg8[%get3A_652, %get3A_653] {strides = array<i32>} : memref<16x768xf32, #tpu.memory_space<vmem>>, vector<1x16xf32>,
        %get3A_655 = vector.shape_cast %get3A_654 : vector<1x16xf32> to vector<16xf32>
        %add3A_656 = arith.addf %get3A_651, %get3A_655 : vector<16xf32>
        %swap3A_657 = arith.index_cast %scan3A_32 : i32 to index
        %swap3A_658 = arith.constant 704 : index
        %swap3A_659 = tpu.vector_load %arg7[%swap3A_657, %swap3A_658] {strides = array<i32>} : memref<16x768xf32, #tpu.memory_space<vmem>>, vector<1x16xf32>,
        %swap3A_660 = vector.shape_cast %swap3A_659 : vector<1x16xf32> to vector<16xf32>
        %swap3A_661 = vector.shape_cast %add3A_656 : vector<16xf32> to vector<1x16xf32>
        tpu.vector_store %arg7[%swap3A_657, %swap3A_658], %swap3A_661 {strides = array<i32>} : memref<16x768xf32, #tpu.memory_space<vmem>>, vector<1x16xf32>,
        %get3A_662 = arith.index_cast %scan3A_32 : i32 to index
        %get3A_663 = arith.constant 720 : index
        %get3A_664 = tpu.vector_load %arg7[%get3A_662, %get3A_663] {strides = array<i32>} : memref<16x768xf32, #tpu.memory_space<vmem>>, vector<1x16xf32>,
        %get3A_665 = vector.shape_cast %get3A_664 : vector<1x16xf32> to vector<16xf32>
        %get3A_666 = arith.index_cast %scan3A_32 : i32 to index
        %get3A_667 = arith.constant 720 : index
        %get3A_668 = tpu.vector_load %arg8[%get3A_666, %get3A_667] {strides = array<i32>} : memref<16x768xf32, #tpu.memory_space<vmem>>, vector<1x16xf32>,
        %get3A_669 = vector.shape_cast %get3A_668 : vector<1x16xf32> to vector<16xf32>
        %add3A_670 = arith.addf %get3A_665, %get3A_669 : vector<16xf32>
        %swap3A_671 = arith.index_cast %scan3A_32 : i32 to index
        %swap3A_672 = arith.constant 720 : index
        %swap3A_673 = tpu.vector_load %arg7[%swap3A_671, %swap3A_672] {strides = array<i32>} : memref<16x768xf32, #tpu.memory_space<vmem>>, vector<1x16xf32>,
        %swap3A_674 = vector.shape_cast %swap3A_673 : vector<1x16xf32> to vector<16xf32>
        %swap3A_675 = vector.shape_cast %add3A_670 : vector<16xf32> to vector<1x16xf32>
        tpu.vector_store %arg7[%swap3A_671, %swap3A_672], %swap3A_675 {strides = array<i32>} : memref<16x768xf32, #tpu.memory_space<vmem>>, vector<1x16xf32>,
        %get3A_676 = arith.index_cast %scan3A_32 : i32 to index
        %get3A_677 = arith.constant 736 : index
        %get3A_678 = tpu.vector_load %arg7[%get3A_676, %get3A_677] {strides = array<i32>} : memref<16x768xf32, #tpu.memory_space<vmem>>, vector<1x16xf32>,
        %get3A_679 = vector.shape_cast %get3A_678 : vector<1x16xf32> to vector<16xf32>
        %get3A_680 = arith.index_cast %scan3A_32 : i32 to index
        %get3A_681 = arith.constant 736 : index
        %get3A_682 = tpu.vector_load %arg8[%get3A_680, %get3A_681] {strides = array<i32>} : memref<16x768xf32, #tpu.memory_space<vmem>>, vector<1x16xf32>,
        %get3A_683 = vector.shape_cast %get3A_682 : vector<1x16xf32> to vector<16xf32>
        %add3A_684 = arith.addf %get3A_679, %get3A_683 : vector<16xf32>
        %swap3A_685 = arith.index_cast %scan3A_32 : i32 to index
        %swap3A_686 = arith.constant 736 : index
        %swap3A_687 = tpu.vector_load %arg7[%swap3A_685, %swap3A_686] {strides = array<i32>} : memref<16x768xf32, #tpu.memory_space<vmem>>, vector<1x16xf32>,
        %swap3A_688 = vector.shape_cast %swap3A_687 : vector<1x16xf32> to vector<16xf32>
        %swap3A_689 = vector.shape_cast %add3A_684 : vector<16xf32> to vector<1x16xf32>
        tpu.vector_store %arg7[%swap3A_685, %swap3A_686], %swap3A_689 {strides = array<i32>} : memref<16x768xf32, #tpu.memory_space<vmem>>, vector<1x16xf32>,
        %get3A_690 = arith.index_cast %scan3A_32 : i32 to index
        %get3A_691 = arith.constant 752 : index
        %get3A_692 = tpu.vector_load %arg7[%get3A_690, %get3A_691] {strides = array<i32>} : memref<16x768xf32, #tpu.memory_space<vmem>>, vector<1x16xf32>,
        %get3A_693 = vector.shape_cast %get3A_692 : vector<1x16xf32> to vector<16xf32>
        %get3A_694 = arith.index_cast %scan3A_32 : i32 to index
        %get3A_695 = arith.constant 752 : index
        %get3A_696 = tpu.vector_load %arg8[%get3A_694, %get3A_695] {strides = array<i32>} : memref<16x768xf32, #tpu.memory_space<vmem>>, vector<1x16xf32>,
        %get3A_697 = vector.shape_cast %get3A_696 : vector<1x16xf32> to vector<16xf32>
        %add3A_698 = arith.addf %get3A_693, %get3A_697 : vector<16xf32>
        %swap3A_699 = arith.index_cast %scan3A_32 : i32 to index
        %swap3A_700 = arith.constant 752 : index
        %swap3A_701 = tpu.vector_load %arg7[%swap3A_699, %swap3A_700] {strides = array<i32>} : memref<16x768xf32, #tpu.memory_space<vmem>>, vector<1x16xf32>,
        %swap3A_702 = vector.shape_cast %swap3A_701 : vector<1x16xf32> to vector<16xf32>
        %swap3A_703 = vector.shape_cast %add3A_698 : vector<16xf32> to vector<1x16xf32>
        tpu.vector_store %arg7[%swap3A_699, %swap3A_700], %swap3A_703 {strides = array<i32>} : memref<16x768xf32, #tpu.memory_space<vmem>>, vector<1x16xf32>,
      }
      %scan3A_30 = arith.constant 16 : i32
      %add3A_31 = arith.addi %mul3A_2, %mul3A_10 : i32
      "tpu.region"() ({
        %run_scoped3A = tpu.sem_alloc : memref<!tpu.dma_semaphore, #tpu.memory_space<semaphore_mem>>
        %dma_start3A_32 = arith.constant 0 : i32
        %dma_start3A_33 = tpu.memref_slice %arg5[%add3A_31, %dma_start3A_32] : memref<16384x768xf32, #tpu.memory_space<hbm>> -> memref<16x768xf32, #tpu.memory_space<hbm>>
        %dma_start3A_34 = arith.constant 0 : i32
        %dma_start3A_35 = tpu.memref_slice %arg5[%add3A_31, %dma_start3A_34] : memref<16384x768xf32, #tpu.memory_space<hbm>> -> memref<16x768xf32, #tpu.memory_space<hbm>>
        tpu.enqueue_dma source(%arg7 : memref<16x768xf32, #tpu.memory_space<vmem>>) target(%dma_start3A_35 : memref<16x768xf32, #tpu.memory_space<hbm>>) target_semaphore(%run_scoped3A : memref<!tpu.dma_semaphore, #tpu.memory_space<semaphore_mem>>)
        %dma_wait3A_36 = arith.constant 0 : i32
        %dma_wait3A_37 = tpu.memref_slice %arg5[%add3A_31, %dma_wait3A_36] : memref<16384x768xf32, #tpu.memory_space<hbm>> -> memref<16x768xf32, #tpu.memory_space<hbm>>
        %dma_wait3A_38 = arith.constant 0 : i32
        %dma_wait3A_39 = tpu.memref_slice %arg5[%add3A_31, %dma_wait3A_38] : memref<16384x768xf32, #tpu.memory_space<hbm>> -> memref<16x768xf32, #tpu.memory_space<hbm>>
        tpu.wait_dma2 semaphore(%run_scoped3A : memref<!tpu.dma_semaphore, #tpu.memory_space<semaphore_mem>>) src(%arg7 : memref<16x768xf32, #tpu.memory_space<vmem>>) dst(%dma_wait3A_39 : memref<16x768xf32, #tpu.memory_space<hbm>>)
        tpu.yield
      }) : () -> ()
    }
    %scan3A_7 = arith.constant 32 : i32
    return
  }
}

module attributes {stable_mosaic.version = 14 : i64} {
  func.func @_topk_body(%arg0: i32, %arg1: memref<1x1x1024xf32, #tpu.memory_space<vmem>>, %arg2: memref<1x1x256xi32, #tpu.memory_space<vmem>>) attributes {dimension_semantics = [#tpu.dimension_semantics<arbitrary>], iteration_bounds = array<i64: 64>, scalar_prefetch = 0 : i64, scratch_operands = 0 : i64, tpu.core_type = #tpu.core_type<tc>, window_params = [{transform_indices = @transform_0, window_bounds = array<i64: 1, 1, 1024>}, {transform_indices = @transform_1, window_bounds = array<i64: 1, 1, 256>}]} {
    %get3A = arith.constant 0 : index
    %get3A_0 = arith.constant 0 : index
    %get3A_1 = arith.constant 0 : index
    %get3A_2 = vector.load %arg1[%get3A, %get3A_0, %get3A_1] : memref<1x1x1024xf32, #tpu.memory_space<vmem>>, vector<1x1x1024xf32>
    %get3A_3 = vector.shape_cast %get3A_2 : vector<1x1x1024xf32> to vector<1x1024xf32>
    %broadcast_in_dim3A = vector.shape_cast %get3A_3 : vector<1x1024xf32> to vector<1x1024xf32>
    %broadcast_in_dim3A_4 = vector.broadcast %broadcast_in_dim3A : vector<1x1024xf32> to vector<1024x1024xf32>
    %iota3A = tpu.iota {dimensions = array<i32: 0>} : vector<1024x1024xi32>
    %iota3A_5 = tpu.iota {dimensions = array<i32: 1>} : vector<1024x1024xi32>
    %eq3A = arith.cmpi eq, %iota3A, %iota3A_5 : vector<1024x1024xi32>
    %jit3A = arith.constant 0.000000e+00 : f32
    %broadcast_in_dim3A_6 = vector.broadcast %jit3A : f32 to vector<1024x1024xf32>
    %select_n3A = arith.select %eq3A, %broadcast_in_dim3A_4, %broadcast_in_dim3A_6 : vector<1024x1024xi1>, vector<1024x1024xf32>
    %reduce_sum3A = arith.constant dense<0.000000e+00> : vector<1024xf32>
    %reduce_sum3A_7 = vector.multi_reduction <add>, %select_n3A, %reduce_sum3A [1] : vector<1024x1024xf32> to vector<1024xf32>
    %broadcast_in_dim3A_8 = vector.shape_cast %reduce_sum3A_7 : vector<1024xf32> to vector<1024x1xf32>
    %broadcast_in_dim3A_9 = vector.shape_cast %broadcast_in_dim3A_8 : vector<1024x1xf32> to vector<1024x1xf32>
    %broadcast_in_dim3A_10 = vector.broadcast %broadcast_in_dim3A_9 : vector<1024x1xf32> to vector<1024x1024xf32>
    %gt3A = arith.cmpf ogt, %broadcast_in_dim3A_4, %broadcast_in_dim3A_10 : vector<1024x1024xf32>
    %eq3A_11 = arith.cmpf oeq, %broadcast_in_dim3A_4, %broadcast_in_dim3A_10 : vector<1024x1024xf32>
    %lt3A = arith.cmpi slt, %iota3A_5, %iota3A : vector<1024x1024xi32>
    %and3A = arith.andi %eq3A_11, %lt3A : vector<1024x1024xi1>
    %or3A = arith.ori %gt3A, %and3A : vector<1024x1024xi1>
    %convert_element_type3A = arith.extui %or3A : vector<1024x1024xi1> to vector<1024x1024xi32>
    %reduce_sum3A_12 = arith.constant dense<0> : vector<1024xi32>
    %reduce_sum3A_13 = vector.multi_reduction <add>, %convert_element_type3A, %reduce_sum3A_12 [1] : vector<1024x1024xi32> to vector<1024xi32>
    %broadcast_in_dim3A_14 = vector.shape_cast %reduce_sum3A_13 : vector<1024xi32> to vector<1024x1xi32>
    %broadcast_in_dim3A_15 = vector.shape_cast %broadcast_in_dim3A_14 : vector<1024x1xi32> to vector<1024x1xi32>
    %broadcast_in_dim3A_16 = vector.broadcast %broadcast_in_dim3A_15 : vector<1024x1xi32> to vector<1024x256xi32>
    %iota3A_17 = tpu.iota {dimensions = array<i32: 1>} : vector<1024x256xi32>
    %iota3A_18 = tpu.iota {dimensions = array<i32: 0>} : vector<1024x256xi32>
    %eq3A_19 = arith.cmpi eq, %broadcast_in_dim3A_16, %iota3A_17 : vector<1024x256xi32>
    %jit3A_20 = arith.constant 0 : i32
    %broadcast_in_dim3A_21 = vector.broadcast %jit3A_20 : i32 to vector<1024x256xi32>
    %select_n3A_22 = arith.select %eq3A_19, %iota3A_18, %broadcast_in_dim3A_21 : vector<1024x256xi1>, vector<1024x256xi32>
    %reduce_sum3A_23 = arith.constant dense<0> : vector<256xi32>
    %reduce_sum3A_24 = vector.multi_reduction <add>, %select_n3A_22, %reduce_sum3A_23 [0] : vector<1024x256xi32> to vector<256xi32>
    %broadcast_in_dim3A_25 = vector.shape_cast %reduce_sum3A_24 : vector<256xi32> to vector<1x256xi32>
    %mul3A = arith.constant 1024 : i32
    %mul3A_26 = arith.muli %arg0, %mul3A : i32
    %add3A = vector.broadcast %mul3A_26 : i32 to vector<1x256xi32>
    %add3A_27 = arith.addi %broadcast_in_dim3A_25, %add3A : vector<1x256xi32>
    %broadcast_in_dim3A_28 = vector.shape_cast %add3A_27 : vector<1x256xi32> to vector<1x1x256xi32>
    %swap3A = arith.constant 0 : index
    %swap3A_29 = arith.constant 0 : index
    %swap3A_30 = arith.constant 0 : index
    %swap3A_31 = vector.load %arg2[%swap3A, %swap3A_29, %swap3A_30] : memref<1x1x256xi32, #tpu.memory_space<vmem>>, vector<1x1x256xi32>
    tpu.vector_store %arg2[%swap3A, %swap3A_29, %swap3A_30], %broadcast_in_dim3A_28 {strides = array<i32>} : memref<1x1x256xi32, #tpu.memory_space<vmem>>, vector<1x1x256xi32>,
    return
  }
  func.func @transform_0(%arg0: i32) -> (i32, i32, i32) {
    %c0_i32 = arith.constant 0 : i32
    %c0_i32_0 = arith.constant 0 : i32
    %c0_i32_1 = arith.constant 0 : i32
    return %arg0, %c0_i32, %c0_i32_0 : i32, i32, i32
  }
  func.func @transform_1(%arg0: i32) -> (i32, i32, i32) {
    %c0_i32 = arith.constant 0 : i32
    %c0_i32_0 = arith.constant 0 : i32
    %c0_i32_1 = arith.constant 0 : i32
    return %arg0, %c0_i32, %c0_i32_0 : i32, i32, i32
  }
}

</mosaic_0001>

<sc_bundles>
// kernel: kernel.4.cloned.1.call-start
scs
__scs_entry_jumppad:
0x0: {  	(pc) =	sbr.rel $0x88, $3  }
0x1: {  	(tag) =	ssettag $0x0;
	lr =	simm.s32 $0x1  }
0x2: {  	[smem:$0x3F9D] =	sst lr;
	_ =	strace $0xD0000000  }
0x3: {  	_ = 	snop  }
0x4: {  	_ = 	snop  }
0x5: {  	_ = 	snop  }
0x6: {  	_ = 	snop  }
0x7: {  	_ = 	snop  }
__scs_overlays_trampoline_lowered:
0x8: {  	[smem:$0x3FAC] =	sst s0  }
0x9: {  	[smem:$0x3FAD] =	sst s1  }
0xa: {  	[smem:$0x3FAE] =	sst s2  }
0xb: {  	[smem:$0x3FAF] =	sst s3  }
0xc: {  	[smem:$0x3FB0] =	sst s4  }
0xd: {  	[smem:$0x3FB1] =	sst s5  }
0xe: {  	[smem:$0x3FB2] =	sst s6  }
0xf: {  	[smem:$0x3FB3] =	sst s7  }
0x10: {  	[smem:$0x3FB4] =	sst s8  }
0x11: {  	[smem:$0x3FB5] =	sst s9;
	s0 =	simm.s32 @!p0 $0x0  }
0x12: {  	s1 =	sld [smem:$0x3F9B];
	s0 =	simm.s32 @p0 $0x1  }
0x13: {  	[smem:$0x3FB6] =	sst s0;
	s0 =	simm.s32 @!p1 $0x0  }
0x14: {  	s2 =	sld [smem:$0x3F9A];
	s0 =	simm.s32 @p1 $0x1  }
0x15: {  	[smem:$0x3FB7] =	sst s0;
	s0 =	simm.s32 @!p2 $0x0  }
0x16: {  	s3 =	sld [smem:$0x3FDB];
	s0 =	simm.s32 @p2 $0x1  }
0x17: {  	s4 =	simm.s32 $0x1BF5;
	[smem:$0x3FB9] =	sst s0  }
0x18: {  	s0 =	sld [smem:$0x3F9C];
	_ =	swait.ge [sflag:s4], $0x0  }
0x19: {  	s7 =	sld [smem:$0x3F9D]  }
0x1a: {  	s8 =	sadd.s32 $0xFFFFE003, lr  }
0x1b: {  	s9 =	sadd.s32 $0xFFFFFEF7, lr;
	s5 =	simm.s32 $0xFFFFFFFF;
	p2 =	slt.u32 s8, $0xFFFFF086  }
0x1c: {  	p1 =	slt.u32 s9, $0xF7A;
	s5 =	simm.s32 @!p2 $0x0  }
0x1d: {  	s5 =	simm.s32 @p1 $0x1;
	p0 =	seq.s32 s7, s2  }
0x1e: {  	s7 =	smul.u32 @!p0 $0xF7A, s2;
	p2 =	seq.s32 @!p0 s5, $0x0  }
0x1f: {  	s9 =	smul.u32 $0xF7A, s1;
	s8 =	simm.s32 @!p0 $0x1BF5;
	p2 =	por !p2, p0  }
0x20: {  	[sflag:s8] =	ssyncset.s32 @!p0 $0xFFFFF086;
	s6 =	sadd.s32 @!p0 s3, s7;
	s7 =	simm.s32 @!p0 $0x108  }
0x21: {  	s3 =	sadd.s32 s3, s9;
	s6 =	sadd.s32 @!p0 $0x88, s6;
	s7 =	simm.s32 @p2 $0x1082  }
0x22: {  	[simem:s7], [sflag:s8] =	dma.local @!p0 [hbm:s6], $0xF7A  }
0x23: {  	s9 =	sor.u32 $0xD0000000, s2;
	s6 =	simm.s32 $0x108;
	_ =	swait.ge @!p0 [sflag:s8], $0x0  }
0x24: {  	s3 =	sadd.s32 $0x88, s3;
	s6 =	simm.s32 @!p1 $0x1082;
	[sflag:s4] =	ssyncset.s32 $0xFFFFF086  }
0x25: {  	[simem:s6], [sflag:s4] =	dma.local [hbm:s3], $0xF7A  }
0x26: {  	[smem:$0x3F9D] =	sst s1;
	(tag) =	ssettag s2;
	_ =	strace s9  }
0x27: {  	s1 =	sld [smem:$0x3FAD]  }
0x28: {  	s2 =	sld [smem:$0x3FAE]  }
0x29: {  	s4 =	sld [smem:$0x3FB0]  }
0x2a: {  	p0 =	seq.s32 s5, $0x0;
	s5 =	sld [smem:$0x3FB1]  }
0x2b: {  	s6 =	sld [smem:$0x3FB2]  }
0x2c: {  	s7 =	sld [smem:$0x3FB3]  }
0x2d: {  	s3 =	simm.s32 $0x108;
	s8 =	sld [smem:$0x3FB4]  }
0x2e: {  	s3 =	simm.s32 @!p0 $0x1082;
	s9 =	sld [smem:$0x3FB5]  }
0x2f: {  	lr =	sadd.s32 s0, s3;
	s0 =	sld [smem:$0x3FAC]  }
0x30: {  	s3 =	sld [smem:$0x3FAF]  }
0x31: {  	[smem:$0x3FB8] =	sst s10  }
0x32: {  	s10 =	sld [smem:$0x3FB6];
	_ =	sdelay $0x3  }
0x33: {  	p0 =	seq.s32 s10, $0x1;
	s10 =	sld [smem:$0x3FB8];
	_ =	sdelay $0x3  }
0x34: {  	[smem:$0x3FB8] =	sst s10  }
0x35: {  	s10 =	sld [smem:$0x3FB7];
	_ =	sdelay $0x3  }
0x36: {  	p1 =	seq.s32 s10, $0x1;
	s10 =	sld [smem:$0x3FB8];
	_ =	sdelay $0x3  }
0x37: {  	[smem:$0x3FB8] =	sst s10  }
0x38: {  	s10 =	sld [smem:$0x3FB9]  }
0x39: {  	_ = 	snop;
	(pc) =	sbr.ind lr, $3  }
0x3a: {  	_ = 	snop  }
0x3b: {  	_ = 	snop  }
0x3c: {  	p2 =	seq.s32 s10, $0x1;
	s10 =	sld [smem:$0x3FB8]  }
0x3d: {  	_ =	shalt  }
0x3e: {  	_ =	shalt  }
0x3f: {  	_ =	shalt  }
0x40: {  	_ =	shalt  }
0x41: {  	_ =	shalt  }
0x42: {  	_ =	shalt  }
0x43: {  	_ =	shalt  }
0x44: {  	_ =	shalt  }
0x45: {  	_ =	shalt  }
0x46: {  	_ =	shalt  }
0x47: {  	_ =	shalt  }
0x48: {  	_ =	shalt  }
0x49: {  	_ =	shalt  }
0x4a: {  	_ =	shalt  }
0x4b: {  	_ =	shalt  }
0x4c: {  	_ =	shalt  }
0x4d: {  	_ =	shalt  }
0x4e: {  	_ =	shalt  }
0x4f: {  	_ =	shalt  }
0x50: {  	_ =	shalt  }
0x51: {  	_ =	shalt  }
0x52: {  	_ =	shalt  }
0x53: {  	_ =	shalt  }
0x54: {  	_ =	shalt  }
0x55: {  	_ =	shalt  }
0x56: {  	_ =	shalt  }
0x57: {  	_ =	shalt  }
0x58: {  	_ =	shalt  }
0x59: {  	_ =	shalt  }
0x5a: {  	_ =	shalt  }
0x5b: {  	_ =	shalt  }
0x5c: {  	_ =	shalt  }
0x5d: {  	_ =	shalt  }
0x5e: {  	_ =	shalt  }
0x5f: {  	_ =	shalt  }
0x60: {  	_ =	shalt  }
0x61: {  	_ =	shalt  }
0x62: {  	_ =	shalt  }
0x63: {  	_ =	shalt  }
0x64: {  	_ =	shalt  }
0x65: {  	_ =	shalt  }
0x66: {  	_ =	shalt  }
0x67: {  	_ =	shalt  }
0x68: {  	_ =	shalt  }
0x69: {  	_ =	shalt  }
0x6a: {  	_ =	shalt  }
0x6b: {  	_ =	shalt  }
0x6c: {  	_ =	shalt  }
0x6d: {  	_ =	shalt  }
0x6e: {  	_ =	shalt  }
0x6f: {  	_ =	shalt  }
0x70: {  	_ =	shalt  }
0x71: {  	_ =	shalt  }
0x72: {  	_ =	shalt  }
0x73: {  	_ =	shalt  }
0x74: {  	_ =	shalt  }
0x75: {  	_ =	shalt  }
0x76: {  	_ =	shalt  }
0x77: {  	_ =	shalt  }
0x78: {  	_ =	shalt  }
0x79: {  	_ =	shalt  }
0x7a: {  	_ =	shalt  }
0x7b: {  	_ =	shalt  }
0x7c: {  	_ =	shalt  }
0x7d: {  	_ =	shalt  }
0x7e: {  	_ =	shalt  }
0x7f: {  	_ =	shalt  }
0x80: {  	_ =	shalt  }
0x81: {  	_ =	shalt  }
0x82: {  	_ =	shalt  }
0x83: {  	_ =	shalt  }
0x84: {  	_ =	shalt  }
0x85: {  	_ =	shalt  }
0x86: {  	_ =	shalt  }
0x87: {  	_ =	shalt  }
.Lfunc_end0:
.L_simem_size_0:
called_computation_lowered:
.L_overlay_start_0:
0x88: {  	s2 =	sld [smem:$0x3FD9]  }
0x89: {  	s3 =	sld [smem:$0x3FFE];
	_ =	sdelay $0x1  }
0x8a: {  	s1 =	srdreg.scid  }
0x8b: {  	s0 =	sand.u32 $0x1, s1  }
0x8c: {  	s17 =	sshll.u32 s0, $0xA;
	s2 =	sadd.s32 s3, s2  }
0x8d: {  	s2 =	sadd.s32 s2, s17  }
0x8e: {  	[smem:$0x3FC4] =	sst s2  }
0x8f: {  	_ = 	snop  }
0x90: {  	s2 =	sld [smem:$0x3FC9]  }
0x91: {  	s18 =	sld [smem:$0x3FD0];
	(tm) =	ssettm $0x1  }
0x92: {  	s4 =	sld [smem:$0x3FFB];
	_ =	sdelay $0x3  }
0x93: {  	_ =	strace s4  }
0x94: {  	s4 =	sld [smem:$0x3FFC];
	_ =	sdelay $0x3  }
0x95: {  	_ =	strace s4  }
0x96: {  	s4 =	sld [smem:$0x3FFD];
	_ =	sdelay $0x3  }
0x97: {  	_ =	strace s4  }
0x98: {  	_ =	strace $0x8FFFFFFF  }
0x99: {  	s19 =	sld [smem:$0x3FDB];
	_ =	sdelay $0x1  }
0x9a: {  	s5 =	simm.s32 $_scs_section_size  }
0x9b: {  	s6 =	simm.s32 $_size__tile_overlayer_lowered;
	s7 =	simm.s32 $_tile_overlayer_lowered  }
0x9c: {  	s22 =	simm.s32 $0x1BFF;
	s21 =	sshll.u32 s7, $0x1;
	s4 =	sadd.s32 s5, s19  }
0x9d: {  	s8 =	simm.s32 $0x0;
	s20 =	sshll.u32 s6, $0x1;
	s6 =	sadd.s32 s21, s4  }
0x9e: {  	[timem:s8], [sflag:s22] =	dma.local [hbm:s6], s20  }
0x9f: {  	_ =	swait.ge [sflag:s22], s20  }
0xa0: {  	s5 =	ssub.s32 $0x0, s20;
	[sflag:s22] =	ssyncset.done $0x0  }
0xa1: {  	[sflag:s22] =	ssyncadd.s32 s5;
	_ =	sdelay $0x1  }
0xa2: {  	s23 =	simm.s32 $0x1B8B  }
0xa3: {  	_ =	swait.ge [sflag:s23], $0x1  }
0xa4: {  	[sflag:s23] =	ssyncset.done $0x0  }
0xa5: {  	s25 =	simm.s32 $0x1B8E;
	s24 =	sld [smem:$0x3FFE];
	[sflag:s23] =	ssyncadd.s32 $0xFFFFFFFF  }
0xa6: {  	s26 =	simm.s32 $execute0_lowered;
	[smem:$0x3FD2] =	sst s25  }
0xa7: {  	s6 =	sshll.u32 s26, $0x1;
	_ =	strace $0x80000046;
	[dreg:$0x1] =	wrdreg $0xFFFFFFFF  }
0xa8: {  	s28 =	simm.s32 $_size_execute0_lowered;
	s4 =	sadd.s32 s4, s6;
	[dreg:$0x0] =	wrdreg $0x0  }
0xa9: {  	s6 =	sshll.u32 s28, $0x1;
	[dreg:$0x2] =	wrdreg s4  }
0xaa: {  	[dreg:$0x3] =	wrdreg s6  }
0xab: {  	[dreg:$0x4] =	wrdreg $0xC0  }
0xac: {  	_ =	task [dreg:s8], $0x5FFFF  }
0xad: {  	[dreg:$0x1] =	wrdreg $0xFFFFFFFF  }
0xae: {  	[dreg:$0x0] =	wrdreg $0x60  }
0xaf: {  	[dreg:$0x2] =	wrdreg s2  }
0xb0: {  	[dreg:$0x3] =	wrdreg s24  }
0xb1: {  	[dreg:$0x4] =	wrdreg s18  }
0xb2: {  	[dreg:$0x5] =	wrdreg $0x9  }
0xb3: {  	_ =	task.clear_ibuf [dreg:s8], $0x6FFFF;
	_ =	strace $0x90000046  }
0xb4: {  	s29 =	simm.s32 $0x9;
	_ =	strace $0x80000048  }
0xb5: {  	_ =	swait.ge [sflag:s29], $0x1  }
0xb6: {  	[sflag:s29] =	ssyncadd.s32 $0xFFFFFFFF  }
0xb7: {  	_ =	strace $0x90000048  }
0xb8: {  	_ =	sfence  }
0xb9: {  	s30 =	sld [smem:$0x0];
	_ =	sdelay $0x2  }
0xba: {  	s31 =	sshll.u32 s1, $0xD;
	s1 =	sshrl.u32 s1, $0x2  }
0xbb: {  	s3 =	sand.u32 $0x4000, s31;
	s1 =	sadd.s32 s1, s30  }
0xbc: {  	s0 =	sor.u32 s3, s0;
	s1 =	sshll.u32 s1, $0x11  }
0xbd: {  	s0 =	sor.u32 s1, s0  }
0xbe: {  	s0 =	sadd.s32 $0x8F2B, s0  }
0xbf: {  	[sflag:s0] =	ssyncadd.remote.s32 $0x1  }
0xc0: {  	_ =	sfence.sel $0xFFFF  }
0xc1: {  	[dreg:$0x0] =	wrdreg $0xFFFFFFFF;
	(pc) =	sbr.abs _section_cstart, $3  }
0xc2: {  	[dreg:$0x1] =	wrdreg $0xFFFFFFFF  }
0xc3: {  	_ =	task.clear_ibuf [dreg:s8], $0x2FFFF;
	_ =	strace $0x9FFFFFFF  }
0xc4: {  	(tm) =	ssettm $0x7FFFFFFF  }
0xc5: {  	_ =	shalt  }
tec
execute0_lowered:
.L_overlay_start_1:
0x0: {  	(tag) =	ssettag $0x1  }
0x1: {  	s1 =	rddreg [dreg:$0x0]  }
0x2: {  	s0 =	rddreg [dreg:$0x1]  }
0x3: {  	s3 =	rddreg [dreg:$0x2]  }
0x4: {  	s2 =	srdreg.scid;
	s5 =	stileid.u32  }
0x5: {  	s4 =	simm.s32 $0x0;
	s13 =	simm.s32 $0x3;
	s14 =	simm.s32 $0x200  }
0x6: {  	s15 =	simm.s32 $0xA00;
	s16 =	simm.s32 $0x1200;
	s17 =	simm.s32 $0x1A00  }
0x7: {  	s18 =	simm.s32 $0x2200;
	s19 =	simm.s32 $0x2A00;
	s20 =	simm.s32 $0x3200  }
0x8: {  	s21 =	simm.s32 $0x3A00;
	s22 =	simm.s32 $0x4200;
	s23 =	simm.s32 $0x4A00  }
0x9: {  	s24 =	simm.s32 $0x5200;
	s25 =	simm.s32 $0x5A00;
	s26 =	simm.s32 $0x1  }
0xa: {  	s28 =	simm.s32 $0x2;
	s2 =	sand.u32 $0x1, s2;
	s5 =	sshll.u32 s5, $0xA  }
0xb: {  	[smem:$0x7FF] =	sst s4;
	s9 =	sadd.s32 $0x200, s1;
	s6 =	sshll.u32 s2, $0x9  }
0xc: {  	s10 =	sadd.s32 $0x900, s0;
	s2 =	ssub.s32 $0x2, s2;
	s5 =	sor.u32 s6, s5  }
0xd: {  	s11 =	sadd.s32 $0xA00, s0;
	s7 =	sshrl.u32 s2, $0x1;
	s8 =	sshrl.u32 s5, $0x3  }
0xe: {  	v2 =	vlaneseq.u32;
	_ =	strace $0x80000047;
	s2 =	ssub.s32 s2, s7;
	s30 =	sadd.s32 s0, s8  }
0xf: {  	vm0 =	vmmov $0xffff;
	v1 =	vshrl.u32 v2, $0x3;
	s6 =	sadd.s32 $0x800, s0;
	s31 =	smax.u32 s2, $0x1;
	[dreg:$0x4] =	wrdreg s30  }
0x10: {  	v0 =	vand.u32 $0x7, v2;
	v2 =	vor.u32 $0x8, v2;
	v1 =	vmul.u32 $0x8, v1;
	s8 =	sadd.s32 $0x100, s1;
	s2 =	simm.s32 $0x0;
	[dreg:$0x5] =	wrdreg s31  }
.LBB2_1:
0x11: {  	[dreg:$0x6] =	wrdreg s2  }
0x12: {  	s0 =	rddreg [dreg:$0x4]  }
0x13: {  	[tilespmem:s4], [sflag:$0x3] =	stream.linear.gather [hbm4b:s0+s4], $0x200, $0x38;
	[tilespmem:$0x6200] =	vst v63  }
0x14: {  	_ =	swait.ge [sflag:s13], $0x200  }
0x15: {  	[sflag:s13] =	ssyncset.done $0x0  }
0x16: {  	s30 =	simm.s32 $0x0;
	[sflag:s13] =	ssyncadd.s32 $0xFFFFFE00  }
.LBB2_2:
0x17: {  	s31 =	sshll.u32 s30, $0x4  }
0x18: {  	v3 =	vld [tilespmem:s31+$0x0];
	_ =	sdelay $0x4  }
0x19: {  	v4 =	vshrl.u32 v3, $0x3  }
0x1a: {  	v5 =	vmul.u32 $0x30, v4  }
0x1b: {  	v3 =	vand.u32 $0x7, v3  }
0x1c: {  	v5 =	vor.u32 v3, v5  }
0x1d: {  	v6 =	vperm.xlane v5, v0;
	_ =	sdelay $0x1  }
0x1e: {  	v6 =	vadd.s32 v1, v6;
	_ =	sdelay $0x3  }
0x1f: {  	s0 =	simm.s32 $0x0;
	v5 =	vperm.xlane v5, v2  }
0x20: {  	[tilespmem:s14], [sflag:$0x1] =	stream.indirect_vreg.gather [hbm4b:s1+s0], $0x80, v6, vm0, $0xb8;
	[tilespmem:$0x6200] =	vst v63  }
0x21: {  	v4 =	vand.u32 $0x7F, v4;
	v5 =	vadd.s32 v1, v5  }
0x22: {  	v4 =	vmul.u32 $0x30, v4;
	[tilespmem:s15], [sflag:$0x1] =	stream.indirect_vreg.gather [hbm4b:s8+s0], $0x80, v6, vm0, $0xb8;
	[tilespmem:$0x6200] =	vst v63  }
0x23: {  	_ = 	snop  }
0x24: {  	v3 =	vor.u32 v3, v4;
	[tilespmem:s16], [sflag:$0x1] =	stream.indirect_vreg.gather [hbm4b:s9+s0], $0x80, v6, vm0, $0xb8;
	[tilespmem:$0x6200] =	vst v63  }
0x25: {  	v4 =	vperm.xlane v3, v0  }
0x26: {  	[tilespmem:s17], [sflag:$0x1] =	stream.indirect_vreg.gather [hbm4b:s1+s0], $0x80, v5, vm0, $0xb8;
	[tilespmem:$0x6200] =	vst v63  }
0x27: {  	v4 =	vadd.s32 v1, v4  }
0x28: {  	[tilespmem:s18], [sflag:$0x1] =	stream.indirect_vreg.gather [hbm4b:s8+s0], $0x80, v5, vm0, $0xb8;
	[tilespmem:$0x6200] =	vst v63  }
0x29: {  	_ = 	snop  }
0x2a: {  	[tilespmem:s19], [sflag:$0x1] =	stream.indirect_vreg.gather [hbm4b:s9+s0], $0x80, v5, vm0, $0xb8;
	[tilespmem:$0x6200] =	vst v63  }
0x2b: {  	v3 =	vperm.xlane v3, v2  }
0x2c: {  	[tilespmem:s20], [sflag:$0x2] =	stream.indirect_vreg.gather [hbm4b:s6+s0], $0x80, v4, vm0, $0xb8;
	[tilespmem:$0x6200] =	vst v63  }
0x2d: {  	v3 =	vadd.s32 v1, v3  }
0x2e: {  	[tilespmem:s21], [sflag:$0x2] =	stream.indirect_vreg.gather [hbm4b:s10+s0], $0x80, v4, vm0, $0xb8;
	[tilespmem:$0x6200] =	vst v63  }
0x2f: {  	_ = 	snop  }
0x30: {  	[tilespmem:s22], [sflag:$0x2] =	stream.indirect_vreg.gather [hbm4b:s11+s0], $0x80, v4, vm0, $0xb8;
	[tilespmem:$0x6200] =	vst v63  }
0x31: {  	_ = 	snop  }
0x32: {  	[tilespmem:s23], [sflag:$0x2] =	stream.indirect_vreg.gather [hbm4b:s6+s0], $0x80, v3, vm0, $0xb8;
	[tilespmem:$0x6200] =	vst v63  }
0x33: {  	_ = 	snop  }
0x34: {  	[tilespmem:s24], [sflag:$0x2] =	stream.indirect_vreg.gather [hbm4b:s10+s0], $0x80, v3, vm0, $0xb8;
	[tilespmem:$0x6200] =	vst v63  }
0x35: {  	_ = 	snop  }
0x36: {  	[tilespmem:s25], [sflag:$0x2] =	stream.indirect_vreg.gather [hbm4b:s11+s0], $0x80, v3, vm0, $0xb8;
	[tilespmem:$0x6200] =	vst v63  }
0x37: {  	_ =	swait.ge [sflag:s26], $0x3000  }
0x38: {  	[sflag:s26] =	ssyncset.done $0x0  }
0x39: {  	s2 =	simm.s32 $0x0;
	[sflag:s26] =	ssyncadd.s32 $0xFFFFD000  }
0x3a: {  	s2 =	smul.u32 $0x1800, s2;
	_ =	swait.ge [sflag:s28], $0x3000  }
0x3b: {  	s7 =	sand.u32 $0x380, s0;
	[sflag:s28] =	ssyncset.done $0x0  }
0x3c: {  	s2 =	sor.u32 s7, s2;
	[sflag:s28] =	ssyncadd.s32 $0xFFFFD000  }
0x3d: {  	v12 =	vld [tilespmem:s2+$0x3200]  }
0x3e: {  	v13 =	vld [tilespmem:s2+$0x3210]  }
0x3f: {  	v14 =	vld [tilespmem:s2+$0x3220]  }
0x40: {  	v15 =	vld [tilespmem:s2+$0x3230]  }
0x41: {  	v16 =	vld [tilespmem:s2+$0x3240]  }
0x42: {  	v17 =	vld [tilespmem:s2+$0x3250]  }
0x43: {  	v18 =	vld [tilespmem:s2+$0x3260]  }
0x44: {  	v19 =	vld [tilespmem:s2+$0x3270]  }
0x45: {  	v20 =	vld [tilespmem:s2+$0x3600]  }
0x46: {  	v21 =	vld [tilespmem:s2+$0x3610]  }
0x47: {  	v22 =	vld [tilespmem:s2+$0x3620]  }
0x48: {  	v23 =	vld [tilespmem:s2+$0x3630]  }
0x49: {  	v24 =	vld [tilespmem:s2+$0x3640]  }
0x4a: {  	v25 =	vld [tilespmem:s2+$0x3650]  }
0x4b: {  	v26 =	vld [tilespmem:s2+$0x3660]  }
0x4c: {  	v27 =	vld [tilespmem:s2+$0x3670]  }
0x4d: {  	v28 =	vld [tilespmem:s2+$0x3A00]  }
0x4e: {  	v29 =	vld [tilespmem:s2+$0x3A10]  }
0x4f: {  	v30 =	vld [tilespmem:s2+$0x3A20]  }
0x50: {  	v31 =	vld [tilespmem:s2+$0x3A30]  }
0x51: {  	v32 =	vld [tilespmem:s2+$0x3A40]  }
0x52: {  	v33 =	vld [tilespmem:s2+$0x3A50]  }
0x53: {  	v34 =	vld [tilespmem:s2+$0x3A60]  }
0x54: {  	v35 =	vld [tilespmem:s2+$0x3A70]  }
0x55: {  	v36 =	vld [tilespmem:s2+$0x3E00]  }
0x56: {  	v37 =	vld [tilespmem:s2+$0x3E10]  }
0x57: {  	v38 =	vld [tilespmem:s2+$0x3E20]  }
0x58: {  	v39 =	vld [tilespmem:s2+$0x3E30]  }
0x59: {  	v40 =	vld [tilespmem:s2+$0x3E40]  }
0x5a: {  	v41 =	vld [tilespmem:s2+$0x3E50]  }
0x5b: {  	v42 =	vld [tilespmem:s2+$0x3E60]  }
0x5c: {  	v43 =	vld [tilespmem:s2+$0x3E70]  }
0x5d: {  	v44 =	vld [tilespmem:s2+$0x4200]  }
0x5e: {  	v45 =	vld [tilespmem:s2+$0x4210]  }
0x5f: {  	v46 =	vld [tilespmem:s2+$0x4220]  }
0x60: {  	v47 =	vld [tilespmem:s2+$0x4230]  }
0x61: {  	v48 =	vld [tilespmem:s2+$0x4240]  }
0x62: {  	v49 =	vld [tilespmem:s2+$0x4250]  }
0x63: {  	v50 =	vld [tilespmem:s2+$0x4260]  }
0x64: {  	v11 =	vld [tilespmem:s2+$0x4270]  }
0x65: {  	v10 =	vld [tilespmem:s2+$0x4600]  }
0x66: {  	v9 =	vld [tilespmem:s2+$0x4610]  }
0x67: {  	v8 =	vld [tilespmem:s2+$0x4620]  }
0x68: {  	v7 =	vld [tilespmem:s2+$0x4630]  }
0x69: {  	v6 =	vld [tilespmem:s2+$0x4640]  }
0x6a: {  	v51 =	vld [tilespmem:s2+$0x200]  }
0x6b: {  	v52 =	vld [tilespmem:s2+$0x210]  }
0x6c: {  	v53 =	vld [tilespmem:s2+$0x220]  }
0x6d: {  	v54 =	vld [tilespmem:s2+$0x230]  }
0x6e: {  	v55 =	vld [tilespmem:s2+$0x240]  }
0x6f: {  	v62 =	vld [tilespmem:s2+$0x250];
	v12 =	vadd.f32 v12, v51  }
0x70: {  	v63 =	vld [tilespmem:s2+$0x260];
	v13 =	vadd.f32 v13, v52  }
0x71: {  	[tilespmem:s2+$0x200] =	vst v12;
	v12 =	vadd.f32 v14, v53;
	v14 =	vld [tilespmem:s2+$0x270]  }
0x72: {  	[tilespmem:s2+$0x210] =	vst v13;
	v13 =	vadd.f32 v15, v54;
	v15 =	vld [tilespmem:s2+$0x600]  }
0x73: {  	[tilespmem:s2+$0x220] =	vst v12;
	v12 =	vadd.f32 v16, v55;
	v16 =	vld [tilespmem:s2+$0x610]  }
0x74: {  	[tilespmem:s2+$0x230] =	vst v13;
	v13 =	vadd.f32 v17, v62;
	v17 =	vld [tilespmem:s2+$0x620]  }
0x75: {  	v5 =	vld [tilespmem:s2+$0x4650]  }
0x76: {  	[tilespmem:s2+$0x240] =	vst v12;
	v12 =	vadd.f32 v18, v63;
	v18 =	vld [tilespmem:s2+$0x670]  }
0x77: {  	[tilespmem:s2+$0x250] =	vst v13;
	v13 =	vadd.f32 v19, v14;
	v14 =	vld [tilespmem:s2+$0x630]  }
0x78: {  	[tilespmem:s2+$0x260] =	vst v12;
	v12 =	vadd.f32 v20, v15;
	v15 =	vld [tilespmem:s2+$0x640]  }
0x79: {  	[tilespmem:s2+$0x270] =	vst v13;
	v13 =	vadd.f32 v21, v16;
	v16 =	vadd.f32 v22, v17;
	v17 =	vld [tilespmem:s2+$0x660]  }
0x7a: {  	[tilespmem:s2+$0x600] =	vst v12;
	v12 =	vld [tilespmem:s2+$0x650]  }
0x7b: {  	[tilespmem:s2+$0x610] =	vst v13;
	v13 =	vld [tilespmem:s2+$0xA00];
	v18 =	vadd.f32 v27, v18  }
0x7c: {  	[tilespmem:s2+$0x620] =	vst v16;
	v16 =	vld [tilespmem:s2+$0xA10];
	v14 =	vadd.f32 v23, v14  }
0x7d: {  	v4 =	vld [tilespmem:s2+$0x4660];
	v15 =	vadd.f32 v24, v15;
	[tilespmem:s2+$0x670] =	vst v18  }
0x7e: {  	[tilespmem:s2+$0x630] =	vst v14;
	v14 =	vld [tilespmem:s2+$0xA20];
	v17 =	vadd.f32 v26, v17  }
0x7f: {  	v12 =	vadd.f32 v25, v12;
	[tilespmem:s2+$0x640] =	vst v15;
	v15 =	vld [tilespmem:s2+$0xA30]  }
0x80: {  	v18 =	vld [tilespmem:s2+$0xA70];
	[tilespmem:s2+$0x660] =	vst v17;
	v13 =	vadd.f32 v28, v13  }
0x81: {  	v16 =	vadd.f32 v29, v16;
	[tilespmem:s2+$0x650] =	vst v12;
	v12 =	vld [tilespmem:s2+$0xA40]  }
0x82: {  	v17 =	vld [tilespmem:s2+$0xA50];
	[tilespmem:s2+$0xA00] =	vst v13  }
0x83: {  	[tilespmem:s2+$0xA10] =	vst v16;
	v16 =	vld [tilespmem:s2+$0xA60];
	v13 =	vadd.f32 v30, v14  }
0x84: {  	v14 =	vld [tilespmem:s2+$0xE00];
	v15 =	vadd.f32 v31, v15  }
0x85: {  	[tilespmem:s2+$0xA20] =	vst v13;
	v13 =	vld [tilespmem:s2+$0xE10]  }
0x86: {  	v12 =	vadd.f32 v32, v12;
	[tilespmem:s2+$0xA30] =	vst v15;
	v15 =	vld [tilespmem:s2+$0xE20]  }
0x87: {  	v3 =	vld [tilespmem:s2+$0x4670];
	v17 =	vadd.f32 v33, v17  }
0x88: {  	v16 =	vadd.f32 v34, v16;
	[tilespmem:s2+$0xA40] =	vst v12;
	v12 =	vld [tilespmem:s2+$0xE30]  }
0x89: {  	[tilespmem:s2+$0xA50] =	vst v17;
	v17 =	vld [tilespmem:s2+$0xE40];
	v14 =	vadd.f32 v36, v14  }
0x8a: {  	v18 =	vadd.f32 v35, v18;
	[tilespmem:s2+$0xA60] =	vst v16;
	v16 =	vld [tilespmem:s2+$0xE50]  }
0x8b: {  	v13 =	vadd.f32 v37, v13;
	[tilespmem:s2+$0xE00] =	vst v14;
	v14 =	vadd.f32 v38, v15;
	v15 =	vld [tilespmem:s2+$0xE60]  }
0x8c: {  	[tilespmem:s2+$0xA70] =	vst v18;
	v18 =	vld [tilespmem:s2+$0xE70]  }
0x8d: {  	[tilespmem:s2+$0xE10] =	vst v13;
	v13 =	vld [tilespmem:s2+$0x1200];
	v12 =	vadd.f32 v39, v12  }
0x8e: {  	v17 =	vadd.f32 v40, v17;
	[tilespmem:s2+$0xE20] =	vst v14;
	v14 =	vld [tilespmem:s2+$0x1210]  }
0x8f: {  	v16 =	vadd.f32 v41, v16;
	[tilespmem:s2+$0xE30] =	vst v12;
	v12 =	vld [tilespmem:s2+$0x1220]  }
0x90: {  	[tilespmem:s2+$0xE40] =	vst v17;
	v17 =	vld [tilespmem:s2+$0x1230];
	v15 =	vadd.f32 v42, v15  }
0x91: {  	v19 =	vld [tilespmem:s2+$0x1240];
	[tilespmem:s2+$0xE50] =	vst v16;
	v16 =	vadd.f32 v43, v18  }
0x92: {  	v18 =	vld [tilespmem:s2+$0x1250];
	v13 =	vadd.f32 v44, v13;
	[tilespmem:s2+$0xE60] =	vst v15  }
0x93: {  	v20 =	vld [tilespmem:s2+$0x1260];
	[tilespmem:s2+$0xE70] =	vst v16;
	v14 =	vadd.f32 v45, v14  }
0x94: {  	v16 =	vld [tilespmem:s2+$0x1270];
	[tilespmem:s2+$0x1200] =	vst v13;
	v12 =	vadd.f32 v46, v12  }
0x95: {  	v15 =	vld [tilespmem:s2+$0x1600];
	v13 =	vadd.f32 v47, v17;
	[tilespmem:s2+$0x1210] =	vst v14  }
0x96: {  	v14 =	vld [tilespmem:s2+$0x1610];
	[tilespmem:s2+$0x1220] =	vst v12;
	v12 =	vadd.f32 v48, v19  }
0x97: {  	[tilespmem:s2+$0x1230] =	vst v13;
	v13 =	vld [tilespmem:s2+$0x1620];
	v18 =	vadd.f32 v49, v18  }
0x98: {  	s7 =	simm.s32 $0x1;
	v17 =	vadd.f32 v50, v20;
	[tilespmem:s2+$0x1240] =	vst v12;
	v12 =	vld [tilespmem:s2+$0x1630]  }
.LBB2_3:
0x99: {  	s12 =	sshrl.u32 s7, $0x3;
	p0 =	sne.s32 s7, $0xF;
	[tilespmem:s2+$0x1250] =	vst v18;
	v11 =	vadd.f32 v11, v16;
	v16 =	vld [tilespmem:s2+$0x1640]  }
0x9a: {  	s0 =	sadd.s32 $0x80, s0;
	s12 =	smul.u32 $0x1800, s12;
	[tilespmem:s2+$0x1260] =	vst v17;
	v10 =	vadd.f32 v10, v15;
	v15 =	vld [tilespmem:s2+$0x1650]  }
0x9b: {  	s29 =	sand.u32 $0x380, s0;
	[tilespmem:s2+$0x1270] =	vst v11;
	v9 =	vadd.f32 v9, v14;
	v11 =	vld [tilespmem:s2+$0x1660]  }
0x9c: {  	s12 =	sor.u32 s29, s12;
	[tilespmem:s2+$0x1600] =	vst v10;
	v8 =	vadd.f32 v8, v13;
	v10 =	vld [tilespmem:s2+$0x1670]  }
0x9d: {  	v39 =	vld [tilespmem:s12+$0x3200];
	[tilespmem:s2+$0x1610] =	vst v9;
	v7 =	vadd.f32 v7, v12  }
0x9e: {  	v40 =	vld [tilespmem:s12+$0x3210];
	[tilespmem:s2+$0x1620] =	vst v8;
	v6 =	vadd.f32 v6, v16  }
0x9f: {  	v41 =	vld [tilespmem:s12+$0x3220];
	[tilespmem:s2+$0x1630] =	vst v7;
	v5 =	vadd.f32 v5, v15  }
0xa0: {  	v42 =	vld [tilespmem:s12+$0x3230];
	[tilespmem:s2+$0x1640] =	vst v6;
	v4 =	vadd.f32 v4, v11  }
0xa1: {  	v43 =	vld [tilespmem:s12+$0x3240];
	[tilespmem:s2+$0x1650] =	vst v5;
	v3 =	vadd.f32 v3, v10  }
0xa2: {  	v44 =	vld [tilespmem:s12+$0x3250];
	[tilespmem:s2+$0x1660] =	vst v4  }
0xa3: {  	v45 =	vld [tilespmem:s12+$0x3260];
	[tilespmem:s2+$0x1670] =	vst v3;
	s2 =	smov.u32 s12  }
0xa4: {  	v46 =	vld [tilespmem:s2+$0x3270]  }
0xa5: {  	v47 =	vld [tilespmem:s2+$0x3600]  }
0xa6: {  	v48 =	vld [tilespmem:s2+$0x3610]  }
0xa7: {  	v49 =	vld [tilespmem:s2+$0x3620]  }
0xa8: {  	v50 =	vld [tilespmem:s2+$0x3630]  }
0xa9: {  	v38 =	vld [tilespmem:s2+$0x3640]  }
0xaa: {  	v37 =	vld [tilespmem:s2+$0x3650]  }
0xab: {  	v36 =	vld [tilespmem:s2+$0x3660]  }
0xac: {  	v35 =	vld [tilespmem:s2+$0x3670]  }
0xad: {  	v34 =	vld [tilespmem:s2+$0x3A00]  }
0xae: {  	v33 =	vld [tilespmem:s2+$0x3A10]  }
0xaf: {  	v32 =	vld [tilespmem:s2+$0x3A20]  }
0xb0: {  	v31 =	vld [tilespmem:s2+$0x3A30]  }
0xb1: {  	v30 =	vld [tilespmem:s2+$0x3A40]  }
0xb2: {  	v29 =	vld [tilespmem:s2+$0x3A50]  }
0xb3: {  	v28 =	vld [tilespmem:s2+$0x3A60]  }
0xb4: {  	v27 =	vld [tilespmem:s2+$0x3A70]  }
0xb5: {  	v26 =	vld [tilespmem:s2+$0x3E00]  }
0xb6: {  	v25 =	vld [tilespmem:s2+$0x3E10]  }
0xb7: {  	v24 =	vld [tilespmem:s2+$0x3E20]  }
0xb8: {  	v23 =	vld [tilespmem:s2+$0x3E30]  }
0xb9: {  	v22 =	vld [tilespmem:s2+$0x3E40]  }
0xba: {  	v21 =	vld [tilespmem:s2+$0x3E50]  }
0xbb: {  	v20 =	vld [tilespmem:s2+$0x3E60]  }
0xbc: {  	v19 =	vld [tilespmem:s2+$0x3E70]  }
0xbd: {  	v18 =	vld [tilespmem:s2+$0x4200]  }
0xbe: {  	v17 =	vld [tilespmem:s2+$0x4210]  }
0xbf: {  	v16 =	vld [tilespmem:s2+$0x4220]  }
0xc0: {  	v15 =	vld [tilespmem:s2+$0x4230]  }
0xc1: {  	v14 =	vld [tilespmem:s2+$0x4240]  }
0xc2: {  	v13 =	vld [tilespmem:s2+$0x4250]  }
0xc3: {  	v12 =	vld [tilespmem:s2+$0x4260]  }
0xc4: {  	v11 =	vld [tilespmem:s2+$0x4270]  }
0xc5: {  	v10 =	vld [tilespmem:s2+$0x4600]  }
0xc6: {  	v9 =	vld [tilespmem:s2+$0x4610]  }
0xc7: {  	v8 =	vld [tilespmem:s2+$0x4620]  }
0xc8: {  	v7 =	vld [tilespmem:s2+$0x4630]  }
0xc9: {  	v6 =	vld [tilespmem:s2+$0x4640]  }
0xca: {  	v5 =	vld [tilespmem:s2+$0x4650]  }
0xcb: {  	v4 =	vld [tilespmem:s2+$0x4660]  }
0xcc: {  	v3 =	vld [tilespmem:s2+$0x4670]  }
0xcd: {  	v51 =	vld [tilespmem:s2+$0x200]  }
0xce: {  	v52 =	vld [tilespmem:s2+$0x210]  }
0xcf: {  	v53 =	vld [tilespmem:s2+$0x220]  }
0xd0: {  	v54 =	vld [tilespmem:s2+$0x230]  }
0xd1: {  	v55 =	vld [tilespmem:s2+$0x240]  }
0xd2: {  	v39 =	vadd.f32 v39, v51;
	v51 =	vld [tilespmem:s2+$0x250]  }
0xd3: {  	v40 =	vadd.f32 v40, v52;
	v52 =	vld [tilespmem:s2+$0x260]  }
0xd4: {  	[tilespmem:s2+$0x200] =	vst v39;
	v39 =	vadd.f32 v41, v53;
	v41 =	vld [tilespmem:s2+$0x270]  }
0xd5: {  	[tilespmem:s2+$0x210] =	vst v40;
	v40 =	vadd.f32 v42, v54;
	v42 =	vld [tilespmem:s2+$0x600]  }
0xd6: {  	[tilespmem:s2+$0x220] =	vst v39;
	v39 =	vadd.f32 v43, v55;
	v43 =	vld [tilespmem:s2+$0x610]  }
0xd7: {  	[tilespmem:s2+$0x230] =	vst v40;
	v40 =	vadd.f32 v44, v51;
	v44 =	vld [tilespmem:s2+$0x620]  }
0xd8: {  	[tilespmem:s2+$0x240] =	vst v39;
	v39 =	vadd.f32 v45, v52;
	v45 =	vld [tilespmem:s2+$0x630]  }
0xd9: {  	[tilespmem:s2+$0x250] =	vst v40;
	v40 =	vadd.f32 v46, v41;
	v41 =	vld [tilespmem:s2+$0x640]  }
0xda: {  	[tilespmem:s2+$0x260] =	vst v39;
	v39 =	vadd.f32 v47, v42;
	v42 =	vld [tilespmem:s2+$0x650]  }
0xdb: {  	[tilespmem:s2+$0x270] =	vst v40;
	v40 =	vadd.f32 v48, v43;
	v43 =	vld [tilespmem:s2+$0x660]  }
0xdc: {  	[tilespmem:s2+$0x600] =	vst v39;
	v39 =	vadd.f32 v49, v44;
	v44 =	vld [tilespmem:s2+$0x670]  }
0xdd: {  	[tilespmem:s2+$0x610] =	vst v40;
	v40 =	vadd.f32 v50, v45;
	v45 =	vld [tilespmem:s2+$0xA00]  }
0xde: {  	[tilespmem:s2+$0x620] =	vst v39;
	v38 =	vadd.f32 v38, v41;
	v39 =	vld [tilespmem:s2+$0xA10]  }
0xdf: {  	[tilespmem:s2+$0x630] =	vst v40;
	v37 =	vadd.f32 v37, v42;
	v40 =	vld [tilespmem:s2+$0xA20]  }
0xe0: {  	[tilespmem:s2+$0x640] =	vst v38;
	v36 =	vadd.f32 v36, v43;
	v38 =	vld [tilespmem:s2+$0xA30]  }
0xe1: {  	[tilespmem:s2+$0x650] =	vst v37;
	v35 =	vadd.f32 v35, v44;
	v37 =	vld [tilespmem:s2+$0xA40]  }
0xe2: {  	[tilespmem:s2+$0x660] =	vst v36;
	v34 =	vadd.f32 v34, v45;
	v36 =	vld [tilespmem:s2+$0xA50]  }
0xe3: {  	[tilespmem:s2+$0x670] =	vst v35;
	v33 =	vadd.f32 v33, v39;
	v35 =	vld [tilespmem:s2+$0xA60]  }
0xe4: {  	[tilespmem:s2+$0xA00] =	vst v34;
	v32 =	vadd.f32 v32, v40;
	v34 =	vld [tilespmem:s2+$0xA70]  }
0xe5: {  	[tilespmem:s2+$0xA10] =	vst v33;
	v31 =	vadd.f32 v31, v38;
	v33 =	vld [tilespmem:s2+$0xE00]  }
0xe6: {  	[tilespmem:s2+$0xA20] =	vst v32;
	v30 =	vadd.f32 v30, v37;
	v32 =	vld [tilespmem:s2+$0xE10]  }
0xe7: {  	[tilespmem:s2+$0xA30] =	vst v31;
	v29 =	vadd.f32 v29, v36;
	v31 =	vld [tilespmem:s2+$0xE20]  }
0xe8: {  	[tilespmem:s2+$0xA40] =	vst v30;
	v28 =	vadd.f32 v28, v35;
	v30 =	vld [tilespmem:s2+$0xE30]  }
0xe9: {  	[tilespmem:s2+$0xA50] =	vst v29;
	v27 =	vadd.f32 v27, v34;
	v29 =	vld [tilespmem:s2+$0xE40]  }
0xea: {  	[tilespmem:s2+$0xA60] =	vst v28;
	v26 =	vadd.f32 v26, v33;
	v28 =	vld [tilespmem:s2+$0xE50]  }
0xeb: {  	[tilespmem:s2+$0xA70] =	vst v27;
	v25 =	vadd.f32 v25, v32;
	v27 =	vld [tilespmem:s2+$0xE60]  }
0xec: {  	[tilespmem:s2+$0xE00] =	vst v26;
	v24 =	vadd.f32 v24, v31;
	v26 =	vld [tilespmem:s2+$0xE70]  }
0xed: {  	[tilespmem:s2+$0xE10] =	vst v25;
	v23 =	vadd.f32 v23, v30;
	v25 =	vld [tilespmem:s2+$0x1200]  }
0xee: {  	[tilespmem:s2+$0xE20] =	vst v24;
	v22 =	vadd.f32 v22, v29;
	v24 =	vld [tilespmem:s2+$0x1210]  }
0xef: {  	[tilespmem:s2+$0xE30] =	vst v23;
	v21 =	vadd.f32 v21, v28;
	v23 =	vld [tilespmem:s2+$0x1220]  }
0xf0: {  	[tilespmem:s2+$0xE40] =	vst v22;
	v20 =	vadd.f32 v20, v27;
	v22 =	vld [tilespmem:s2+$0x1230]  }
0xf1: {  	[tilespmem:s2+$0xE50] =	vst v21;
	v19 =	vadd.f32 v19, v26;
	v21 =	vld [tilespmem:s2+$0x1240]  }
0xf2: {  	[tilespmem:s2+$0xE60] =	vst v20;
	v18 =	vadd.f32 v18, v25;
	v20 =	vld [tilespmem:s2+$0x1250]  }
0xf3: {  	[tilespmem:s2+$0xE70] =	vst v19;
	v17 =	vadd.f32 v17, v24;
	v19 =	vld [tilespmem:s2+$0x1260]  }
.Ltmp0:
0xf4: {  	[tilespmem:s2+$0x1200] =	vst v18;
	v18 =	vadd.f32 v16, v23;
	v16 =	vld [tilespmem:s2+$0x1270];
	(pc) =	sbr.rel @p0 .LBB2_3-.Ltmp0, $4  }
0xf5: {  	[tilespmem:s2+$0x1210] =	vst v17;
	v17 =	vadd.f32 v15, v22;
	v15 =	vld [tilespmem:s2+$0x1600]  }
0xf6: {  	[tilespmem:s2+$0x1220] =	vst v18;
	v21 =	vadd.f32 v14, v21;
	v14 =	vld [tilespmem:s2+$0x1610]  }
0xf7: {  	[tilespmem:s2+$0x1230] =	vst v17;
	v18 =	vadd.f32 v13, v20;
	v13 =	vld [tilespmem:s2+$0x1620]  }
0xf8: {  	s7 =	sadd.s32 $0x1, s7;
	[tilespmem:s2+$0x1240] =	vst v21;
	v17 =	vadd.f32 v12, v19;
	v12 =	vld [tilespmem:s2+$0x1630]  }
0xf9: {  	[tilespmem:s2+$0x1250] =	vst v18;
	v60 =	vld [tilespmem:s2+$0x1640];
	v11 =	vadd.f32 v11, v16  }
0xfa: {  	v61 =	vld [tilespmem:s2+$0x1650];
	[tilespmem:s2+$0x1260] =	vst v17;
	v10 =	vadd.f32 v10, v15  }
0xfb: {  	v62 =	vld [tilespmem:s2+$0x1660];
	[tilespmem:s2+$0x1270] =	vst v11;
	v9 =	vadd.f32 v9, v14  }
0xfc: {  	v63 =	vld [tilespmem:s2+$0x1670];
	[tilespmem:s2+$0x1600] =	vst v10;
	v8 =	vadd.f32 v8, v13  }
0xfd: {  	[tilespmem:s2+$0x1610] =	vst v9;
	v7 =	vadd.f32 v7, v12  }
0xfe: {  	[tilespmem:s2+$0x1620] =	vst v8;
	v6 =	vadd.f32 v6, v60  }
0xff: {  	s0 =	sor.u32 s5, s31;
	v5 =	vadd.f32 v5, v61;
	[tilespmem:s2+$0x1630] =	vst v7  }
0x100: {  	s0 =	sshrl.u32 s0, $0x3;
	v4 =	vadd.f32 v4, v62;
	[tilespmem:s2+$0x1640] =	vst v6  }
0x101: {  	s30 =	sadd.s32 $0x1, s30;
	s0 =	smul.u32 $0x300, s0;
	v3 =	vadd.f32 v3, v63;
	[tilespmem:s2+$0x1650] =	vst v5  }
0x102: {  	p0 =	sne.s32 s30, $0x20;
	[tilespmem:s2+$0x1660] =	vst v4  }
.Ltmp1:
0x103: {  	s0 =	sadd.s32 s3, s0;
	[tilespmem:s2+$0x1670] =	vst v3;
	(pc) =	sbr.rel @p0 .LBB2_2-.Ltmp1, $4  }
0x104: {  	[hbm4b:s0+s4] =	stream.linear.scatter [tilespmem:s14], [sflag:$0x3], $0x3000, $0x38;
	[tilespmem:$0x6200] =	vst v63  }
0x105: {  	_ =	swait.ge [sflag:s13], $0x3000  }
0x106: {  	[sflag:s13] =	ssyncset.done $0x0  }
0x107: {  	[sflag:s13] =	ssyncadd.s32 $0xFFFFD000  }
0x108: {  	s2 =	rddreg [dreg:$0x6]  }
0x109: {  	s0 =	rddreg [dreg:$0x5];
	s2 =	sadd.s32 $0x1, s2  }
0x10a: {  	p0 =	sne.s32 s2, s0  }
.Ltmp2:
0x10b: {  	_ = 	snop;
	(pc) =	sbr.rel @p0 .LBB2_1-.Ltmp2, $1  }
0x10c: {  	_ =	sdelay $0x3  }
0x10d: {  	_ =	sfence.sel $0x180000  }
0x10e: {  	[bflag:$0x0] =	sbarrier.arrive $0xFFFF  }
0x10f: {  	_ =	strace $0x90000047  }
0x110: {  	s0 =	stileid.u32;
	[bflag:$0x2] =	sbarrier.arrive $0xFFFF  }
0x111: {  	p0 =	sne.s32 s0, $0x0;
	s0 =	rddreg [dreg:$0x3]  }
0x112: {  	s0 =	sadd.s32 @!p0 $0x100000, s0  }
0x113: {  	[sflag:s0] =	ssyncadd.tile.s32 @!p0 $0x1;
	_ =	shalt  }
.Lfunc_end2:
_tile_overlayer_lowered:
.L_overlay_start_2:
0x114: {  	(tag) =	ssettag $0x2  }
0x115: {  	s0 =	rddreg [dreg:$0x0];
	s2 =	stileid.u32  }
0x116: {  	s1 =	rddreg [dreg:$0x1];
	p0 =	sne.s32 s2, $0x0  }
0x117: {  	s3 =	rddreg [dreg:$0x2];
	[bflag:$0x3] =	sbarrier.arrive $0xFFFF;
	s2 =	simm.s32 @!p0 $0x1C03  }
0x118: {  	[timem:s3], [sflag:s2] =	dma.local @!p0 [hbm:s0], s1  }
0x119: {  	s0 =	simm.s32 @!p0 $0x3  }
0x11a: {  	_ =	swait.ge @!p0 [sflag:s0], s1  }
0x11b: {  	s1 =	ssub.s32 @!p0 $0x0, s1;
	[sflag:s0] =	ssyncset.done @!p0 $0x0  }
0x11c: {  	[sflag:s0] =	ssyncadd.s32 @!p0 s1  }
0x11d: {  	[bflag:$0x3] =	sbarrier.arrive $0xFFFF  }
0x11e: {  	_ =	shalt  }

</sc_bundles>
